<compile_context>
chip_gen: v7x
topology: tpu7x:2x2x1
jax: 0.10.2.dev20260603
libtpu: 0.0.44.dev20260713+nightly
codegen_flags: <defaults>
</compile_context>

<pallas_src>
import functools

import jax
import jax.numpy as jnp
from jax import lax
from jax.experimental import pallas as pl
from jax.experimental.pallas import tpu as pltpu
from jax.experimental.pallas import tpu_sc as plsc

_NC = 2
_NS = 16
_L = 16
_NW = _NC * _NS

_STRIDE = 8
_RADIU = 12.0
_LIMIT_LO = -1.0
_LIMIT_HI = 64.0
_BIG = 99999999.0


@functools.lru_cache(maxsize=None)
def _build(B, H, W, M):
  HW = H * W
  WPB = _NW // B
  PPW = HW // WPB
  CH = PPW // _L
  mesh = plsc.VectorSubcoreMesh(core_axis_name="c", subcore_axis_name="s",
                                num_cores=_NC, num_subcores=_NS)

  @functools.partial(
      pl.kernel,
      out_type=(
          jax.ShapeDtypeStruct((B * HW,), jnp.int32),
          jax.ShapeDtypeStruct((B * HW,), jnp.float32),
          jax.ShapeDtypeStruct((B * 4 * HW,), jnp.float32),
      ),
      mesh=mesh,
      compiler_params=pltpu.CompilerParams(needs_layout_passes=False),
      scratch_types=[
          pltpu.VMEM((M, 4), jnp.float32),
          pltpu.VMEM((B, M), jnp.int32),
          pltpu.VMEM((PPW,), jnp.float32),
          pltpu.VMEM((PPW,), jnp.float32),
          pltpu.VMEM((PPW,), jnp.float32),
          pltpu.VMEM((PPW,), jnp.float32),
          pltpu.VMEM((PPW,), jnp.int32),
          pltpu.VMEM((PPW,), jnp.float32),
          pltpu.VMEM((PPW,), jnp.float32),
          pltpu.SemaphoreType.DMA,
      ],
  )
  def sc_kernel(gt_hbm, cls_hbm, clsout_hbm, cntout_hbm, regout_hbm,
                boxes_v, classes_v, rl, rt, rr, rb, clsp, cntp, areap, sem):
    wid = lax.axis_index("s") * _NC + lax.axis_index("c")
    b = wid // WPB
    q = wid % WPB

    in1 = pltpu.async_copy(gt_hbm.at[b], boxes_v, sem)
    in2 = pltpu.async_copy(cls_hbm, classes_v, sem)

    neg1 = jnp.full((_L,), -1.0, jnp.float32)
    zero_i = jnp.zeros((_L,), jnp.int32)
    big = jnp.full((_L,), _BIG, jnp.float32)

    def init_body(i, carry):
      for u in range(4):
        sl = pl.ds((i * 4 + u) * _L, _L)
        rl[sl] = neg1
        rt[sl] = neg1
        rr[sl] = neg1
        rb[sl] = neg1
        clsp[sl] = zero_i
        cntp[sl] = neg1
        areap[sl] = big
      return carry

    lax.fori_loop(0, CH // 4, init_body, 0)
    in1.wait()
    in2.wait()

    lane = lax.iota(jnp.int32, _L)
    dxl = lane % 3
    dyl = lane // 3
    lane_ok = lane < 9
    p_base = q * PPW
    col0 = jnp.zeros((_L,), jnp.int32)
    col1 = jnp.full((_L,), 1, jnp.int32)
    col2 = jnp.full((_L,), 2, jnp.int32)
    col3 = jnp.full((_L,), 3, jnp.int32)
    bvec = lax.broadcast(b, (_L,))

    ROWS = PPW // W
    row0 = q * ROWS

    def box_body(m, carry):
      mvec = lax.broadcast(m, (_L,))
      y0 = plsc.load_gather(boxes_v, [mvec, col1])
      y1 = plsc.load_gather(boxes_v, [mvec, col3])
      cy = (y0 + y1) * 0.5
      j0a = ((cy + (1024.0 - 16.0)) * 0.125).astype(jnp.int32) - 127
      jf = j0a.astype(jnp.float32)
      j0 = (j0a - jnp.where(jf * 8.0 + 8.0 > cy, 1, 0)
            + jnp.where(jf * 8.0 + 16.0 > cy, 0, 1))
      j0s = j0[0]

      @pl.when((j0s + 2 >= row0) & (j0s < row0 + ROWS))
      def _process():
        x0 = plsc.load_gather(boxes_v, [mvec, col0])
        x1 = plsc.load_gather(boxes_v, [mvec, col2])
        cm = plsc.load_gather(classes_v, [bvec, mvec])
        cx = (x0 + x1) * 0.5
        i0a = ((cx + (1024.0 - 16.0)) * 0.125).astype(jnp.int32) - 127
        xf = i0a.astype(jnp.float32)
        i0 = (i0a - jnp.where(xf * 8.0 + 8.0 > cx, 1, 0)
              + jnp.where(xf * 8.0 + 16.0 > cx, 0, 1))
        ii = i0 + dxl
        jj = j0 + dyl
        valid = (lane_ok & (ii >= 0) & (ii < W) & (jj >= 0) & (jj < H))
        p_local = jj * W + ii - p_base
        in_r = (p_local >= 0) & (p_local < PPW)
        pc = p_local & (PPW - 1)
        xv = (ii * _STRIDE + _STRIDE // 2).astype(jnp.float32)
        yv = (jj * _STRIDE + _STRIDE // 2).astype(jnp.float32)
        l = xv - x0
        t = yv - y0
        r = x1 - xv
        bb = y1 - yv
        area = (l + r) * (t + bb)
        off_min = jnp.minimum(jnp.minimum(l, t), jnp.minimum(r, bb))
        off_max = jnp.maximum(jnp.maximum(l, t), jnp.maximum(r, bb))
        c_off = jnp.maximum(jnp.abs(xv - cx), jnp.abs(yv - cy))
        mask = (valid & in_r & (off_min > 0.0)
                & (off_max > _LIMIT_LO) & (off_max <= _LIMIT_HI)
                & (c_off < _RADIU))
        best = plsc.load_gather(areap, [pc])
        upd = mask & (area < best)
        ratio = (jnp.minimum(l, r) * jnp.minimum(t, bb)) / (
            jnp.maximum(l, r) * jnp.maximum(t, bb) + 1e-10)
        xi = plsc.bitcast(ratio, jnp.int32)
        y = plsc.bitcast(0x5F3759DF - (xi >> 1), jnp.float32)
        y = y * (1.5 - 0.5 * ratio * y * y)
        y = y * (1.5 - 0.5 * ratio * y * y)
        y = y * (1.5 - 0.5 * ratio * y * y)
        cnt = ratio * y
        plsc.store_scatter(areap, [pc], area, mask=upd)
        plsc.store_scatter(cntp, [pc], cnt, mask=upd)
        plsc.store_scatter(clsp, [pc], cm, mask=upd)
        plsc.store_scatter(rl, [pc], l, mask=upd)
        plsc.store_scatter(rt, [pc], t, mask=upd)
        plsc.store_scatter(rr, [pc], r, mask=upd)
        plsc.store_scatter(rb, [pc], bb, mask=upd)

      return carry

    lax.fori_loop(0, M, box_body, 0)

    outs = [
        pltpu.async_copy(clsp, clsout_hbm.at[pl.ds(wid * PPW, PPW)], sem),
        pltpu.async_copy(cntp, cntout_hbm.at[pl.ds(wid * PPW, PPW)], sem),
        pltpu.async_copy(
            rl, regout_hbm.at[pl.ds((b * 4 + 0) * HW + q * PPW, PPW)], sem),
        pltpu.async_copy(
            rt, regout_hbm.at[pl.ds((b * 4 + 1) * HW + q * PPW, PPW)], sem),
        pltpu.async_copy(
            rr, regout_hbm.at[pl.ds((b * 4 + 2) * HW + q * PPW, PPW)], sem),
        pltpu.async_copy(
            rb, regout_hbm.at[pl.ds((b * 4 + 3) * HW + q * PPW, PPW)], sem),
    ]
    for h in outs:
      h.wait()

  return sc_kernel


@jax.jit
def kernel(cls_logits, cnt_logits, reg_preds, gt_boxes, classes):
  B, _, H, W = cls_logits.shape
  M = classes.shape[1]
  HW = H * W
  sc_kernel = _build(B, H, W, M)
  cls_flat, cnt_flat, reg_flat = sc_kernel(gt_boxes.astype(jnp.float32),
                                           classes.astype(jnp.int32))
  cls_t = cls_flat.reshape(B, HW, 1)
  cnt_t = cnt_flat.reshape(B, HW, 1)
  reg_t = jnp.transpose(reg_flat.reshape(B, 4, HW), (0, 2, 1))
  return cls_t, cnt_t, reg_t

# --- scband reference (transcript-rebuilt; emitter-appended) ---
"""Pipeline reference for scband-rfla-net-69312182222890 (READ-ONLY COPY).

The authoritative reference and input builder live on the scoring server;
editing this copy changes nothing except your own understanding.
"""

import jax, jax.numpy as jnp
import numpy as np

STRIDE = 8
LIMIT_RANGE = (-1.0, 64.0)
SAMPLE_RADIU_RATIO = 1.5


def setup_inputs(seed: int = 0) -> dict:
    key = jax.random.key(seed)
    k1, k2, k3, k4, k5, k6 = jax.random.split(key, 6)
    B, C, H, W, M = 8, 81, 128, 128, 50
    cls_logits = jax.random.normal(k1, (B, C, H, W), dtype=jnp.float32)
    cnt_logits = jax.random.normal(k2, (B, 1, H, W), dtype=jnp.float32)
    reg_preds = jax.random.normal(k3, (B, 4, H, W), dtype=jnp.float32)
    xy = jax.random.uniform(k4, (B, M, 2), dtype=jnp.float32, minval=0.0, maxval=800.0)
    wh = jax.random.uniform(k5, (B, M, 2), dtype=jnp.float32, minval=8.0, maxval=96.0)
    gt_boxes = jnp.concatenate([xy, xy + wh], axis=-1)
    classes = jax.random.randint(k6, (B, M), 1, 81).astype(jnp.int32)
    return {"cls_logits": cls_logits, "cnt_logits": cnt_logits, "reg_preds": reg_preds,
            "gt_boxes": gt_boxes, "classes": classes}


def _gen_level_targets(cls_logits, cnt_logits, reg_preds, gt_boxes, classes):
    stride = STRIDE
    limit_range = LIMIT_RANGE
    batch_size = cls_logits.shape[0]
    class_num = cls_logits.shape[1]
    cls_l = jnp.transpose(cls_logits, (0, 2, 3, 1))
    h, w = cls_l.shape[1:3]
    # coords_fmap2orig
    shifts_x = jnp.arange(0, w * stride, stride, dtype=jnp.float32)
    shifts_y = jnp.arange(0, h * stride, stride, dtype=jnp.float32)
    shift_y, shift_x = jnp.meshgrid(shifts_y, shifts_x, indexing='ij')
    coords = jnp.stack([shift_x.reshape(-1), shift_y.reshape(-1)], axis=-1) + stride // 2
    x = coords[:, 0]
    y = coords[:, 1]
    l_off = x[None, :, None] - gt_boxes[..., 0][:, None, :]
    t_off = y[None, :, None] - gt_boxes[..., 1][:, None, :]
    r_off = gt_boxes[..., 2][:, None, :] - x[None, :, None]
    b_off = gt_boxes[..., 3][:, None, :] - y[None, :, None]
    ltrb_off = jnp.stack([l_off, t_off, r_off, b_off], axis=-1)  # [B, HW, M, 4]
    areas = (ltrb_off[..., 0] + ltrb_off[..., 2]) * (ltrb_off[..., 1] + ltrb_off[..., 3])
    off_min = jnp.min(ltrb_off, axis=-1)
    off_max = jnp.max(ltrb_off, axis=-1)
    mask_in_gtboxes = off_min > 0
    mask_in_level = (off_max > limit_range[0]) & (off_max <= limit_range[1])
    radiu = stride * SAMPLE_RADIU_RATIO
    gt_center_x = (gt_boxes[..., 0] + gt_boxes[..., 2]) / 2
    gt_center_y = (gt_boxes[..., 1] + gt_boxes[..., 3]) / 2
    c_l_off = x[None, :, None] - gt_center_x[:, None, :]
    c_t_off = y[None, :, None] - gt_center_y[:, None, :]
    c_r_off = gt_center_x[:, None, :] - x[None, :, None]
    c_b_off = gt_center_y[:, None, :] - y[None, :, None]
    c_ltrb_off = jnp.stack([c_l_off, c_t_off, c_r_off, c_b_off], axis=-1)
    c_off_max = jnp.max(c_ltrb_off, axis=-1)
    mask_center = c_off_max < radiu
    mask_pos = mask_in_gtboxes & mask_in_level & mask_center  # [B, HW, M]
    areas_m = jnp.where(mask_pos, areas, 99999999.0)
    areas_min_ind = jnp.argmin(areas_m, axis=-1)  # [B, HW], first-min like torch
    reg_targets = jnp.take_along_axis(ltrb_off, areas_min_ind[:, :, None, None], axis=2)[:, :, 0, :]  # [B, HW, 4]
    classes_b = jnp.broadcast_to(classes[:, None, :], areas_m.shape)
    cls_targets = jnp.take_along_axis(classes_b, areas_min_ind[:, :, None], axis=2)  # [B, HW, 1]
    left_right_min = jnp.minimum(reg_targets[..., 0], reg_targets[..., 2])
    left_right_max = jnp.maximum(reg_targets[..., 0], reg_targets[..., 2])
    top_bottom_min = jnp.minimum(reg_targets[..., 1], reg_targets[..., 3])
    top_bottom_max = jnp.maximum(reg_targets[..., 1], reg_targets[..., 3])
    mask_pos_2 = jnp.sum(mask_pos.astype(jnp.int32), axis=-1) >= 1  # [B, HW]
    ratio = left_right_min * top_bottom_min / (left_right_max * top_bottom_max + 1e-10)
    safe_ratio = jnp.where(mask_pos_2, ratio, 1.0)
    cnt_targets = jnp.where(mask_pos_2, jnp.sqrt(safe_ratio), -1.0)[..., None]  # [B, HW, 1]
    cls_targets = jnp.where(mask_pos_2[..., None], cls_targets, 0)
    reg_targets = jnp.where(mask_pos_2[..., None], reg_targets, -1.0)
    return cls_targets, cnt_targets, reg_targets


def reference(cls_logits, cnt_logits, reg_preds, gt_boxes, classes):
    return _gen_level_targets(cls_logits, cnt_logits, reg_preds, gt_boxes, classes)

if __name__ == "__main__":
    import jax
    _d = setup_inputs()
    print(jax.jit(kernel)(*tuple(_d.values())))

</pallas_src>

<mosaic_0001>
#map = affine_map<(d0, d1) -> (0, 0, 0)>
#map1 = affine_map<(d0, d1) -> (0, 0)>
#map2 = affine_map<(d0, d1) -> (0)>
module attributes {stable_mosaic.version = 14 : i64} {
  func.func @sc_kernel(%arg0: i32, %arg1: i32, %arg2: memref<8x50x4xf32, #tpu.memory_space<hbm>>, %arg3: memref<8x50xi32, #tpu.memory_space<hbm>>, %arg4: memref<131072xi32, #tpu.memory_space<hbm>>, %arg5: memref<131072xf32, #tpu.memory_space<hbm>>, %arg6: memref<524288xf32, #tpu.memory_space<hbm>>, %arg7: memref<50x4xf32, #tpu.memory_space<vmem>>, %arg8: memref<8x50xi32, #tpu.memory_space<vmem>>, %arg9: memref<4096xf32, #tpu.memory_space<vmem>>, %arg10: memref<4096xf32, #tpu.memory_space<vmem>>, %arg11: memref<4096xf32, #tpu.memory_space<vmem>>, %arg12: memref<4096xf32, #tpu.memory_space<vmem>>, %arg13: memref<4096xi32, #tpu.memory_space<vmem>>, %arg14: memref<4096xf32, #tpu.memory_space<vmem>>, %arg15: memref<4096xf32, #tpu.memory_space<vmem>>, %arg16: memref<!tpu.dma_semaphore, #tpu.memory_space<semaphore_mem>>) attributes {dimension_semantics = [#tpu.dimension_semantics<core_parallel>, #tpu.dimension_semantics<subcore_parallel>], iteration_bounds = array<i64: 2, 16>, scalar_prefetch = 0 : i64, scratch_operands = 10 : i64, tpu.core_type = #tpu.core_type<sc_vector_subcore>, window_params = [{transform_indices = #map}, {transform_indices = #map1}, {transform_indices = #map2}, {transform_indices = #map2}, {transform_indices = #map2}]} {
    %mul3A = arith.constant 2 : i32
    %mul3A_0 = arith.muli %arg1, %mul3A : i32
    %add3A = arith.addi %mul3A_0, %arg0 : i32
    %jit3A = arith.constant 4 : i32
    %div3A = arith.divsi %add3A, %jit3A : i32
    %sign3A = arith.constant 0 : i32
    %sign3A_1 = arith.cmpi sgt, %add3A, %sign3A : i32
    %sign3A_2 = arith.extui %sign3A_1 : i1 to i32
    %sign3A_3 = arith.constant 0 : i32
    %sign3A_4 = arith.cmpi slt, %add3A, %sign3A_3 : i32
    %sign3A_5 = arith.extui %sign3A_4 : i1 to i32
    %sign3A_6 = arith.subi %sign3A_2, %sign3A_5 : i32
    %sign3A_7 = arith.constant 0 : i32
    %sign3A_8 = arith.cmpi sgt, %jit3A, %sign3A_7 : i32
    %sign3A_9 = arith.extui %sign3A_8 : i1 to i32
    %sign3A_10 = arith.constant 0 : i32
    %sign3A_11 = arith.cmpi slt, %jit3A, %sign3A_10 : i32
    %sign3A_12 = arith.extui %sign3A_11 : i1 to i32
    %sign3A_13 = arith.subi %sign3A_9, %sign3A_12 : i32
    %ne3A = arith.cmpi ne, %sign3A_6, %sign3A_13 : i32
    %rem3A = arith.remsi %add3A, %jit3A : i32
    %ne3A_14 = arith.constant 0 : i32
    %ne3A_15 = arith.cmpi ne, %rem3A, %ne3A_14 : i32
    %and3A = arith.andi %ne3A, %ne3A_15 : i1
    %sub3A = arith.constant 1 : i32
    %sub3A_16 = arith.subi %div3A, %sub3A : i32
    %select_n3A = arith.select %and3A, %sub3A_16, %div3A : i32
    %jit3A_17 = arith.constant 4 : i32
    %eq3A = arith.constant 0 : i32
    %eq3A_18 = arith.cmpi eq, %jit3A_17, %eq3A : i32
    %jit3A_19 = arith.constant 1 : i32
    %select_n3A_20 = arith.select %eq3A_18, %jit3A_19, %jit3A_17 : i32
    %rem3A_21 = arith.remsi %add3A, %select_n3A_20 : i32
    %ne3A_22 = arith.constant 0 : i32
    %ne3A_23 = arith.cmpi ne, %rem3A_21, %ne3A_22 : i32
    %lt3A = arith.constant 0 : i32
    %lt3A_24 = arith.cmpi slt, %rem3A_21, %lt3A : i32
    %lt3A_25 = arith.constant 0 : i32
    %lt3A_26 = arith.cmpi slt, %select_n3A_20, %lt3A_25 : i32
    %ne3A_27 = arith.xori %lt3A_24, %lt3A_26 : i1
    %and3A_28 = arith.andi %ne3A_27, %ne3A_23 : i1
    %add3A_29 = arith.addi %rem3A_21, %select_n3A_20 : i32
    %select_n3A_30 = arith.select %and3A_28, %add3A_29, %rem3A_21 : i32
    %dma_start3A = arith.constant 0 : i32
    %dma_start3A_31 = arith.constant 0 : i32
    %dma_start3A_32 = tpu.memref_slice %arg2[%select_n3A, %dma_start3A, %dma_start3A_31] : memref<8x50x4xf32, #tpu.memory_space<hbm>> -> memref<1x50x4xf32, #tpu.memory_space<hbm>>
    %dma_start3A_33 = tpu.memref_squeeze %dma_start3A_32 : memref<1x50x4xf32, #tpu.memory_space<hbm>> -> memref<50x4xf32, #tpu.memory_space<hbm>>
    %dma_start3A_34 = arith.constant 0 : i32
    %dma_start3A_35 = arith.constant 0 : i32
    %dma_start3A_36 = tpu.memref_slice %arg2[%select_n3A, %dma_start3A_34, %dma_start3A_35] : memref<8x50x4xf32, #tpu.memory_space<hbm>> -> memref<1x50x4xf32, #tpu.memory_space<hbm>>
    %dma_start3A_37 = tpu.memref_squeeze %dma_start3A_36 : memref<1x50x4xf32, #tpu.memory_space<hbm>> -> memref<50x4xf32, #tpu.memory_space<hbm>>
    tpu.enqueue_dma source(%dma_start3A_37 : memref<50x4xf32, #tpu.memory_space<hbm>>) target(%arg7 : memref<50x4xf32, #tpu.memory_space<vmem>>) target_semaphore(%arg16 : memref<!tpu.dma_semaphore, #tpu.memory_space<semaphore_mem>>)
    tpu.enqueue_dma source(%arg3 : memref<8x50xi32, #tpu.memory_space<hbm>>) target(%arg8 : memref<8x50xi32, #tpu.memory_space<vmem>>) target_semaphore(%arg16 : memref<!tpu.dma_semaphore, #tpu.memory_space<semaphore_mem>>)
    %broadcast_in_dim3A = arith.constant -1.000000e+00 : f32
    %broadcast_in_dim3A_38 = vector.broadcast %broadcast_in_dim3A : f32 to vector<16xf32>
    %broadcast_in_dim3A_39 = arith.constant 0 : i32
    %broadcast_in_dim3A_40 = vector.broadcast %broadcast_in_dim3A_39 : i32 to vector<16xi32>
    %broadcast_in_dim3A_41 = arith.constant 1.000000e+08 : f32
    %broadcast_in_dim3A_42 = vector.broadcast %broadcast_in_dim3A_41 : f32 to vector<16xf32>
    %scan3A = arith.constant 0 : i32
    %scan3A_43 = arith.constant 0 : i32
    %scan3A_44 = arith.constant 64 : i32
    %scan3A_45 = arith.addi %scan3A_43, %scan3A_44 : i32
    %scan3A_46 = arith.constant 1 : i32
    scf.for %scan3A_194 = %scan3A_43 to %scan3A_45 step %scan3A_46  : i32 {
      %mul3A_195 = arith.constant 4 : i32
      %mul3A_196 = arith.muli %scan3A_194, %mul3A_195 : i32
      %add3A_197 = arith.constant 0 : i32
      %add3A_198 = arith.addi %mul3A_196, %add3A_197 : i32
      %mul3A_199 = arith.constant 16 : i32
      %mul3A_200 = arith.muli %add3A_198, %mul3A_199 : i32
      %swap3A = arith.index_cast %mul3A_200 : i32 to index
      %swap3A_201 = tpu.vector_load %arg9[%swap3A] {strides = array<i32>} : memref<4096xf32, #tpu.memory_space<vmem>>, vector<16xf32>,
      tpu.vector_store %arg9[%swap3A], %broadcast_in_dim3A_38 {strides = array<i32>} : memref<4096xf32, #tpu.memory_space<vmem>>, vector<16xf32>,
      %swap3A_202 = arith.index_cast %mul3A_200 : i32 to index
      %swap3A_203 = tpu.vector_load %arg10[%swap3A_202] {strides = array<i32>} : memref<4096xf32, #tpu.memory_space<vmem>>, vector<16xf32>,
      tpu.vector_store %arg10[%swap3A_202], %broadcast_in_dim3A_38 {strides = array<i32>} : memref<4096xf32, #tpu.memory_space<vmem>>, vector<16xf32>,
      %swap3A_204 = arith.index_cast %mul3A_200 : i32 to index
      %swap3A_205 = tpu.vector_load %arg11[%swap3A_204] {strides = array<i32>} : memref<4096xf32, #tpu.memory_space<vmem>>, vector<16xf32>,
      tpu.vector_store %arg11[%swap3A_204], %broadcast_in_dim3A_38 {strides = array<i32>} : memref<4096xf32, #tpu.memory_space<vmem>>, vector<16xf32>,
      %swap3A_206 = arith.index_cast %mul3A_200 : i32 to index
      %swap3A_207 = tpu.vector_load %arg12[%swap3A_206] {strides = array<i32>} : memref<4096xf32, #tpu.memory_space<vmem>>, vector<16xf32>,
      tpu.vector_store %arg12[%swap3A_206], %broadcast_in_dim3A_38 {strides = array<i32>} : memref<4096xf32, #tpu.memory_space<vmem>>, vector<16xf32>,
      %swap3A_208 = arith.index_cast %mul3A_200 : i32 to index
      %swap3A_209 = tpu.vector_load %arg13[%swap3A_208] {strides = array<i32>} : memref<4096xi32, #tpu.memory_space<vmem>>, vector<16xi32>,
      tpu.vector_store %arg13[%swap3A_208], %broadcast_in_dim3A_40 {strides = array<i32>} : memref<4096xi32, #tpu.memory_space<vmem>>, vector<16xi32>,
      %swap3A_210 = arith.index_cast %mul3A_200 : i32 to index
      %swap3A_211 = tpu.vector_load %arg14[%swap3A_210] {strides = array<i32>} : memref<4096xf32, #tpu.memory_space<vmem>>, vector<16xf32>,
      tpu.vector_store %arg14[%swap3A_210], %broadcast_in_dim3A_38 {strides = array<i32>} : memref<4096xf32, #tpu.memory_space<vmem>>, vector<16xf32>,
      %swap3A_212 = arith.index_cast %mul3A_200 : i32 to index
      %swap3A_213 = tpu.vector_load %arg15[%swap3A_212] {strides = array<i32>} : memref<4096xf32, #tpu.memory_space<vmem>>, vector<16xf32>,
      tpu.vector_store %arg15[%swap3A_212], %broadcast_in_dim3A_42 {strides = array<i32>} : memref<4096xf32, #tpu.memory_space<vmem>>, vector<16xf32>,
      %mul3A_214 = arith.constant 4 : i32
      %mul3A_215 = arith.muli %scan3A_194, %mul3A_214 : i32
      %add3A_216 = arith.constant 1 : i32
      %add3A_217 = arith.addi %mul3A_215, %add3A_216 : i32
      %mul3A_218 = arith.constant 16 : i32
      %mul3A_219 = arith.muli %add3A_217, %mul3A_218 : i32
      %swap3A_220 = arith.index_cast %mul3A_219 : i32 to index
      %swap3A_221 = tpu.vector_load %arg9[%swap3A_220] {strides = array<i32>} : memref<4096xf32, #tpu.memory_space<vmem>>, vector<16xf32>,
      tpu.vector_store %arg9[%swap3A_220], %broadcast_in_dim3A_38 {strides = array<i32>} : memref<4096xf32, #tpu.memory_space<vmem>>, vector<16xf32>,
      %swap3A_222 = arith.index_cast %mul3A_219 : i32 to index
      %swap3A_223 = tpu.vector_load %arg10[%swap3A_222] {strides = array<i32>} : memref<4096xf32, #tpu.memory_space<vmem>>, vector<16xf32>,
      tpu.vector_store %arg10[%swap3A_222], %broadcast_in_dim3A_38 {strides = array<i32>} : memref<4096xf32, #tpu.memory_space<vmem>>, vector<16xf32>,
      %swap3A_224 = arith.index_cast %mul3A_219 : i32 to index
      %swap3A_225 = tpu.vector_load %arg11[%swap3A_224] {strides = array<i32>} : memref<4096xf32, #tpu.memory_space<vmem>>, vector<16xf32>,
      tpu.vector_store %arg11[%swap3A_224], %broadcast_in_dim3A_38 {strides = array<i32>} : memref<4096xf32, #tpu.memory_space<vmem>>, vector<16xf32>,
      %swap3A_226 = arith.index_cast %mul3A_219 : i32 to index
      %swap3A_227 = tpu.vector_load %arg12[%swap3A_226] {strides = array<i32>} : memref<4096xf32, #tpu.memory_space<vmem>>, vector<16xf32>,
      tpu.vector_store %arg12[%swap3A_226], %broadcast_in_dim3A_38 {strides = array<i32>} : memref<4096xf32, #tpu.memory_space<vmem>>, vector<16xf32>,
      %swap3A_228 = arith.index_cast %mul3A_219 : i32 to index
      %swap3A_229 = tpu.vector_load %arg13[%swap3A_228] {strides = array<i32>} : memref<4096xi32, #tpu.memory_space<vmem>>, vector<16xi32>,
      tpu.vector_store %arg13[%swap3A_228], %broadcast_in_dim3A_40 {strides = array<i32>} : memref<4096xi32, #tpu.memory_space<vmem>>, vector<16xi32>,
      %swap3A_230 = arith.index_cast %mul3A_219 : i32 to index
      %swap3A_231 = tpu.vector_load %arg14[%swap3A_230] {strides = array<i32>} : memref<4096xf32, #tpu.memory_space<vmem>>, vector<16xf32>,
      tpu.vector_store %arg14[%swap3A_230], %broadcast_in_dim3A_38 {strides = array<i32>} : memref<4096xf32, #tpu.memory_space<vmem>>, vector<16xf32>,
      %swap3A_232 = arith.index_cast %mul3A_219 : i32 to index
      %swap3A_233 = tpu.vector_load %arg15[%swap3A_232] {strides = array<i32>} : memref<4096xf32, #tpu.memory_space<vmem>>, vector<16xf32>,
      tpu.vector_store %arg15[%swap3A_232], %broadcast_in_dim3A_42 {strides = array<i32>} : memref<4096xf32, #tpu.memory_space<vmem>>, vector<16xf32>,
      %mul3A_234 = arith.constant 4 : i32
      %mul3A_235 = arith.muli %scan3A_194, %mul3A_234 : i32
      %add3A_236 = arith.constant 2 : i32
      %add3A_237 = arith.addi %mul3A_235, %add3A_236 : i32
      %mul3A_238 = arith.constant 16 : i32
      %mul3A_239 = arith.muli %add3A_237, %mul3A_238 : i32
      %swap3A_240 = arith.index_cast %mul3A_239 : i32 to index
      %swap3A_241 = tpu.vector_load %arg9[%swap3A_240] {strides = array<i32>} : memref<4096xf32, #tpu.memory_space<vmem>>, vector<16xf32>,
      tpu.vector_store %arg9[%swap3A_240], %broadcast_in_dim3A_38 {strides = array<i32>} : memref<4096xf32, #tpu.memory_space<vmem>>, vector<16xf32>,
      %swap3A_242 = arith.index_cast %mul3A_239 : i32 to index
      %swap3A_243 = tpu.vector_load %arg10[%swap3A_242] {strides = array<i32>} : memref<4096xf32, #tpu.memory_space<vmem>>, vector<16xf32>,
      tpu.vector_store %arg10[%swap3A_242], %broadcast_in_dim3A_38 {strides = array<i32>} : memref<4096xf32, #tpu.memory_space<vmem>>, vector<16xf32>,
      %swap3A_244 = arith.index_cast %mul3A_239 : i32 to index
      %swap3A_245 = tpu.vector_load %arg11[%swap3A_244] {strides = array<i32>} : memref<4096xf32, #tpu.memory_space<vmem>>, vector<16xf32>,
      tpu.vector_store %arg11[%swap3A_244], %broadcast_in_dim3A_38 {strides = array<i32>} : memref<4096xf32, #tpu.memory_space<vmem>>, vector<16xf32>,
      %swap3A_246 = arith.index_cast %mul3A_239 : i32 to index
      %swap3A_247 = tpu.vector_load %arg12[%swap3A_246] {strides = array<i32>} : memref<4096xf32, #tpu.memory_space<vmem>>, vector<16xf32>,
      tpu.vector_store %arg12[%swap3A_246], %broadcast_in_dim3A_38 {strides = array<i32>} : memref<4096xf32, #tpu.memory_space<vmem>>, vector<16xf32>,
      %swap3A_248 = arith.index_cast %mul3A_239 : i32 to index
      %swap3A_249 = tpu.vector_load %arg13[%swap3A_248] {strides = array<i32>} : memref<4096xi32, #tpu.memory_space<vmem>>, vector<16xi32>,
      tpu.vector_store %arg13[%swap3A_248], %broadcast_in_dim3A_40 {strides = array<i32>} : memref<4096xi32, #tpu.memory_space<vmem>>, vector<16xi32>,
      %swap3A_250 = arith.index_cast %mul3A_239 : i32 to index
      %swap3A_251 = tpu.vector_load %arg14[%swap3A_250] {strides = array<i32>} : memref<4096xf32, #tpu.memory_space<vmem>>, vector<16xf32>,
      tpu.vector_store %arg14[%swap3A_250], %broadcast_in_dim3A_38 {strides = array<i32>} : memref<4096xf32, #tpu.memory_space<vmem>>, vector<16xf32>,
      %swap3A_252 = arith.index_cast %mul3A_239 : i32 to index
      %swap3A_253 = tpu.vector_load %arg15[%swap3A_252] {strides = array<i32>} : memref<4096xf32, #tpu.memory_space<vmem>>, vector<16xf32>,
      tpu.vector_store %arg15[%swap3A_252], %broadcast_in_dim3A_42 {strides = array<i32>} : memref<4096xf32, #tpu.memory_space<vmem>>, vector<16xf32>,
      %mul3A_254 = arith.constant 4 : i32
      %mul3A_255 = arith.muli %scan3A_194, %mul3A_254 : i32
      %add3A_256 = arith.constant 3 : i32
      %add3A_257 = arith.addi %mul3A_255, %add3A_256 : i32
      %mul3A_258 = arith.constant 16 : i32
      %mul3A_259 = arith.muli %add3A_257, %mul3A_258 : i32
      %swap3A_260 = arith.index_cast %mul3A_259 : i32 to index
      %swap3A_261 = tpu.vector_load %arg9[%swap3A_260] {strides = array<i32>} : memref<4096xf32, #tpu.memory_space<vmem>>, vector<16xf32>,
      tpu.vector_store %arg9[%swap3A_260], %broadcast_in_dim3A_38 {strides = array<i32>} : memref<4096xf32, #tpu.memory_space<vmem>>, vector<16xf32>,
      %swap3A_262 = arith.index_cast %mul3A_259 : i32 to index
      %swap3A_263 = tpu.vector_load %arg10[%swap3A_262] {strides = array<i32>} : memref<4096xf32, #tpu.memory_space<vmem>>, vector<16xf32>,
      tpu.vector_store %arg10[%swap3A_262], %broadcast_in_dim3A_38 {strides = array<i32>} : memref<4096xf32, #tpu.memory_space<vmem>>, vector<16xf32>,
      %swap3A_264 = arith.index_cast %mul3A_259 : i32 to index
      %swap3A_265 = tpu.vector_load %arg11[%swap3A_264] {strides = array<i32>} : memref<4096xf32, #tpu.memory_space<vmem>>, vector<16xf32>,
      tpu.vector_store %arg11[%swap3A_264], %broadcast_in_dim3A_38 {strides = array<i32>} : memref<4096xf32, #tpu.memory_space<vmem>>, vector<16xf32>,
      %swap3A_266 = arith.index_cast %mul3A_259 : i32 to index
      %swap3A_267 = tpu.vector_load %arg12[%swap3A_266] {strides = array<i32>} : memref<4096xf32, #tpu.memory_space<vmem>>, vector<16xf32>,
      tpu.vector_store %arg12[%swap3A_266], %broadcast_in_dim3A_38 {strides = array<i32>} : memref<4096xf32, #tpu.memory_space<vmem>>, vector<16xf32>,
      %swap3A_268 = arith.index_cast %mul3A_259 : i32 to index
      %swap3A_269 = tpu.vector_load %arg13[%swap3A_268] {strides = array<i32>} : memref<4096xi32, #tpu.memory_space<vmem>>, vector<16xi32>,
      tpu.vector_store %arg13[%swap3A_268], %broadcast_in_dim3A_40 {strides = array<i32>} : memref<4096xi32, #tpu.memory_space<vmem>>, vector<16xi32>,
      %swap3A_270 = arith.index_cast %mul3A_259 : i32 to index
      %swap3A_271 = tpu.vector_load %arg14[%swap3A_270] {strides = array<i32>} : memref<4096xf32, #tpu.memory_space<vmem>>, vector<16xf32>,
      tpu.vector_store %arg14[%swap3A_270], %broadcast_in_dim3A_38 {strides = array<i32>} : memref<4096xf32, #tpu.memory_space<vmem>>, vector<16xf32>,
      %swap3A_272 = arith.index_cast %mul3A_259 : i32 to index
      %swap3A_273 = tpu.vector_load %arg15[%swap3A_272] {strides = array<i32>} : memref<4096xf32, #tpu.memory_space<vmem>>, vector<16xf32>,
      tpu.vector_store %arg15[%swap3A_272], %broadcast_in_dim3A_42 {strides = array<i32>} : memref<4096xf32, #tpu.memory_space<vmem>>, vector<16xf32>,
    }
    %scan3A_47 = arith.constant 64 : i32
    %dma_wait3A = arith.constant 0 : i32
    %dma_wait3A_48 = arith.constant 0 : i32
    %dma_wait3A_49 = tpu.memref_slice %arg2[%select_n3A, %dma_wait3A, %dma_wait3A_48] : memref<8x50x4xf32, #tpu.memory_space<hbm>> -> memref<1x50x4xf32, #tpu.memory_space<hbm>>
    %dma_wait3A_50 = tpu.memref_squeeze %dma_wait3A_49 : memref<1x50x4xf32, #tpu.memory_space<hbm>> -> memref<50x4xf32, #tpu.memory_space<hbm>>
    %dma_wait3A_51 = arith.constant 0 : i32
    %dma_wait3A_52 = arith.constant 0 : i32
    %dma_wait3A_53 = tpu.memref_slice %arg2[%select_n3A, %dma_wait3A_51, %dma_wait3A_52] : memref<8x50x4xf32, #tpu.memory_space<hbm>> -> memref<1x50x4xf32, #tpu.memory_space<hbm>>
    %dma_wait3A_54 = tpu.memref_squeeze %dma_wait3A_53 : memref<1x50x4xf32, #tpu.memory_space<hbm>> -> memref<50x4xf32, #tpu.memory_space<hbm>>
    tpu.wait_dma2 semaphore(%arg16 : memref<!tpu.dma_semaphore, #tpu.memory_space<semaphore_mem>>) src(%dma_wait3A_54 : memref<50x4xf32, #tpu.memory_space<hbm>>) dst(%arg7 : memref<50x4xf32, #tpu.memory_space<vmem>>)
    tpu.wait_dma2 semaphore(%arg16 : memref<!tpu.dma_semaphore, #tpu.memory_space<semaphore_mem>>) src(%arg3 : memref<8x50xi32, #tpu.memory_space<hbm>>) dst(%arg8 : memref<8x50xi32, #tpu.memory_space<vmem>>)
    %iota3A = tpu.iota {dimensions = array<i32: 0>} : vector<16xi32>
    %jit3A_55 = arith.constant 3 : i32
    %eq3A_56 = arith.constant 0 : i32
    %eq3A_57 = arith.cmpi eq, %jit3A_55, %eq3A_56 : i32
    %jit3A_58 = arith.constant 1 : i32
    %select_n3A_59 = arith.select %eq3A_57, %jit3A_58, %jit3A_55 : i32
    %rem3A_60 = vector.broadcast %select_n3A_59 : i32 to vector<16xi32>
    %rem3A_61 = arith.remsi %iota3A, %rem3A_60 : vector<16xi32>
    %ne3A_62 = arith.constant 0 : i32
    %ne3A_63 = vector.broadcast %ne3A_62 : i32 to vector<16xi32>
    %ne3A_64 = arith.cmpi ne, %rem3A_61, %ne3A_63 : vector<16xi32>
    %lt3A_65 = arith.constant 0 : i32
    %lt3A_66 = vector.broadcast %lt3A_65 : i32 to vector<16xi32>
    %lt3A_67 = arith.cmpi slt, %rem3A_61, %lt3A_66 : vector<16xi32>
    %lt3A_68 = arith.constant 0 : i32
    %lt3A_69 = arith.cmpi slt, %select_n3A_59, %lt3A_68 : i32
    %ne3A_70 = vector.broadcast %lt3A_69 : i1 to vector<16xi1>
    %ne3A_71 = vector.broadcast %ne3A_70 : vector<16xi1> to vector<16xi1>
    %ne3A_72 = arith.xori %lt3A_67, %ne3A_71 : vector<16xi1>
    %and3A_73 = arith.andi %ne3A_72, %ne3A_64 : vector<16xi1>
    %add3A_74 = vector.broadcast %select_n3A_59 : i32 to vector<16xi32>
    %add3A_75 = arith.addi %rem3A_61, %add3A_74 : vector<16xi32>
    %select_n3A_76 = arith.select %and3A_73, %add3A_75, %rem3A_61 : vector<16xi1>, vector<16xi32>
    %jit3A_77 = arith.constant 3 : i32
    %div3A_78 = vector.broadcast %jit3A_77 : i32 to vector<16xi32>
    %div3A_79 = arith.divsi %iota3A, %div3A_78 : vector<16xi32>
    %sign3A_80 = arith.constant 0 : i32
    %sign3A_81 = vector.broadcast %sign3A_80 : i32 to vector<16xi32>
    %sign3A_82 = arith.cmpi sgt, %iota3A, %sign3A_81 : vector<16xi32>
    %sign3A_83 = arith.extui %sign3A_82 : vector<16xi1> to vector<16xi32>
    %sign3A_84 = arith.constant 0 : i32
    %sign3A_85 = vector.broadcast %sign3A_84 : i32 to vector<16xi32>
    %sign3A_86 = arith.cmpi slt, %iota3A, %sign3A_85 : vector<16xi32>
    %sign3A_87 = arith.extui %sign3A_86 : vector<16xi1> to vector<16xi32>
    %sign3A_88 = arith.subi %sign3A_83, %sign3A_87 : vector<16xi32>
    %sign3A_89 = arith.constant 0 : i32
    %sign3A_90 = arith.cmpi sgt, %jit3A_77, %sign3A_89 : i32
    %sign3A_91 = arith.extui %sign3A_90 : i1 to i32
    %sign3A_92 = arith.constant 0 : i32
    %sign3A_93 = arith.cmpi slt, %jit3A_77, %sign3A_92 : i32
    %sign3A_94 = arith.extui %sign3A_93 : i1 to i32
    %sign3A_95 = arith.subi %sign3A_91, %sign3A_94 : i32
    %ne3A_96 = vector.broadcast %sign3A_95 : i32 to vector<16xi32>
    %ne3A_97 = arith.cmpi ne, %sign3A_88, %ne3A_96 : vector<16xi32>
    %rem3A_98 = vector.broadcast %jit3A_77 : i32 to vector<16xi32>
    %rem3A_99 = arith.remsi %iota3A, %rem3A_98 : vector<16xi32>
    %ne3A_100 = arith.constant 0 : i32
    %ne3A_101 = vector.broadcast %ne3A_100 : i32 to vector<16xi32>
    %ne3A_102 = arith.cmpi ne, %rem3A_99, %ne3A_101 : vector<16xi32>
    %and3A_103 = arith.andi %ne3A_97, %ne3A_102 : vector<16xi1>
    %sub3A_104 = arith.constant 1 : i32
    %sub3A_105 = vector.broadcast %sub3A_104 : i32 to vector<16xi32>
    %sub3A_106 = arith.subi %div3A_79, %sub3A_105 : vector<16xi32>
    %select_n3A_107 = arith.select %and3A_103, %sub3A_106, %div3A_79 : vector<16xi1>, vector<16xi32>
    %lt3A_108 = arith.constant 9 : i32
    %lt3A_109 = vector.broadcast %lt3A_108 : i32 to vector<16xi32>
    %lt3A_110 = arith.cmpi slt, %iota3A, %lt3A_109 : vector<16xi32>
    %mul3A_111 = arith.constant 4096 : i32
    %mul3A_112 = arith.muli %select_n3A_30, %mul3A_111 : i32
    %broadcast_in_dim3A_113 = arith.constant 0 : i32
    %broadcast_in_dim3A_114 = vector.broadcast %broadcast_in_dim3A_113 : i32 to vector<16xi32>
    %broadcast_in_dim3A_115 = arith.constant 1 : i32
    %broadcast_in_dim3A_116 = vector.broadcast %broadcast_in_dim3A_115 : i32 to vector<16xi32>
    %broadcast_in_dim3A_117 = arith.constant 2 : i32
    %broadcast_in_dim3A_118 = vector.broadcast %broadcast_in_dim3A_117 : i32 to vector<16xi32>
    %broadcast_in_dim3A_119 = arith.constant 3 : i32
    %broadcast_in_dim3A_120 = vector.broadcast %broadcast_in_dim3A_119 : i32 to vector<16xi32>
    %broadcast_in_dim3A_121 = vector.broadcast %select_n3A : i32 to vector<16xi32>
    %mul3A_122 = arith.constant 32 : i32
    %mul3A_123 = arith.muli %select_n3A_30, %mul3A_122 : i32
    %scan3A_124 = arith.constant 0 : i32
    %scan3A_125 = arith.constant 0 : i32
    %scan3A_126 = arith.constant 50 : i32
    %scan3A_127 = arith.addi %scan3A_125, %scan3A_126 : i32
    %scan3A_128 = arith.constant 1 : i32
    scf.for %scan3A_194 = %scan3A_125 to %scan3A_127 step %scan3A_128  : i32 {
      %broadcast_in_dim3A_195 = vector.broadcast %scan3A_194 : i32 to vector<16xi32>
      %gather3A = tpu.vector_load_idx %arg7[%broadcast_in_dim3A_195, %broadcast_in_dim3A_116] : memref<50x4xf32, #tpu.memory_space<vmem>>[vector<16xi32>, vector<16xi32>], vector<16xf32>,
      %gather3A_196 = tpu.vector_load_idx %arg7[%broadcast_in_dim3A_195, %broadcast_in_dim3A_120] : memref<50x4xf32, #tpu.memory_space<vmem>>[vector<16xi32>, vector<16xi32>], vector<16xf32>,
      %add3A_197 = arith.addf %gather3A, %gather3A_196 : vector<16xf32>
      %mul3A_198 = arith.constant 5.000000e-01 : f32
      %mul3A_199 = vector.broadcast %mul3A_198 : f32 to vector<16xf32>
      %mul3A_200 = arith.mulf %add3A_197, %mul3A_199 : vector<16xf32>
      %add3A_201 = arith.constant 1.008000e+03 : f32
      %add3A_202 = vector.broadcast %add3A_201 : f32 to vector<16xf32>
      %add3A_203 = arith.addf %mul3A_200, %add3A_202 : vector<16xf32>
      %mul3A_204 = arith.constant 1.250000e-01 : f32
      %mul3A_205 = vector.broadcast %mul3A_204 : f32 to vector<16xf32>
      %mul3A_206 = arith.mulf %add3A_203, %mul3A_205 : vector<16xf32>
      %convert_element_type3A = arith.fptosi %mul3A_206 : vector<16xf32> to vector<16xi32>
      %sub3A_207 = arith.constant 127 : i32
      %sub3A_208 = vector.broadcast %sub3A_207 : i32 to vector<16xi32>
      %sub3A_209 = arith.subi %convert_element_type3A, %sub3A_208 : vector<16xi32>
      %convert_element_type3A_210 = arith.sitofp %sub3A_209 : vector<16xi32> to vector<16xf32>
      %mul3A_211 = arith.constant 8.000000e+00 : f32
      %mul3A_212 = vector.broadcast %mul3A_211 : f32 to vector<16xf32>
      %mul3A_213 = arith.mulf %convert_element_type3A_210, %mul3A_212 : vector<16xf32>
      %add3A_214 = arith.constant 8.000000e+00 : f32
      %add3A_215 = vector.broadcast %add3A_214 : f32 to vector<16xf32>
      %add3A_216 = arith.addf %mul3A_213, %add3A_215 : vector<16xf32>
      %gt3A = arith.cmpf ogt, %add3A_216, %mul3A_200 : vector<16xf32>
      %jit3A_217 = arith.constant 1 : i32
      %jit3A_218 = arith.constant 0 : i32
      %broadcast_in_dim3A_219 = vector.broadcast %jit3A_217 : i32 to vector<16xi32>
      %broadcast_in_dim3A_220 = vector.broadcast %jit3A_218 : i32 to vector<16xi32>
      %select_n3A_221 = arith.select %gt3A, %broadcast_in_dim3A_219, %broadcast_in_dim3A_220 : vector<16xi1>, vector<16xi32>
      %sub3A_222 = arith.subi %sub3A_209, %select_n3A_221 : vector<16xi32>
      %mul3A_223 = arith.constant 8.000000e+00 : f32
      %mul3A_224 = vector.broadcast %mul3A_223 : f32 to vector<16xf32>
      %mul3A_225 = arith.mulf %convert_element_type3A_210, %mul3A_224 : vector<16xf32>
      %add3A_226 = arith.constant 1.600000e+01 : f32
      %add3A_227 = vector.broadcast %add3A_226 : f32 to vector<16xf32>
      %add3A_228 = arith.addf %mul3A_225, %add3A_227 : vector<16xf32>
      %gt3A_229 = arith.cmpf ogt, %add3A_228, %mul3A_200 : vector<16xf32>
      %jit3A_230 = arith.constant 0 : i32
      %jit3A_231 = arith.constant 1 : i32
      %broadcast_in_dim3A_232 = vector.broadcast %jit3A_230 : i32 to vector<16xi32>
      %broadcast_in_dim3A_233 = vector.broadcast %jit3A_231 : i32 to vector<16xi32>
      %select_n3A_234 = arith.select %gt3A_229, %broadcast_in_dim3A_232, %broadcast_in_dim3A_233 : vector<16xi1>, vector<16xi32>
      %add3A_235 = arith.addi %sub3A_222, %select_n3A_234 : vector<16xi32>
      %slice3A = vector.extract_strided_slice %add3A_235 {offsets = [0], sizes = [1], strides = [1]} : vector<16xi32> to vector<1xi32>
      %squeeze3A = vector.extract %slice3A[0] : i32 from vector<1xi32>
      %add3A_236 = arith.constant 2 : i32
      %add3A_237 = arith.addi %squeeze3A, %add3A_236 : i32
      %ge3A = arith.cmpi sge, %add3A_237, %mul3A_123 : i32
      %add3A_238 = arith.constant 32 : i32
      %add3A_239 = arith.addi %mul3A_123, %add3A_238 : i32
      %lt3A_240 = arith.cmpi slt, %squeeze3A, %add3A_239 : i32
      %and3A_241 = arith.andi %ge3A, %lt3A_240 : i1
      %convert_element_type3A_242 = arith.extui %and3A_241 : i1 to i32
      %cond3A = arith.constant 0 : i32
      %cond3A_243 = arith.cmpi ne, %convert_element_type3A_242, %cond3A : i32
      scf.if %cond3A_243 {
        %gather3A_244 = tpu.vector_load_idx %arg7[%broadcast_in_dim3A_195, %broadcast_in_dim3A_114] : memref<50x4xf32, #tpu.memory_space<vmem>>[vector<16xi32>, vector<16xi32>], vector<16xf32>,
        %gather3A_245 = tpu.vector_load_idx %arg7[%broadcast_in_dim3A_195, %broadcast_in_dim3A_118] : memref<50x4xf32, #tpu.memory_space<vmem>>[vector<16xi32>, vector<16xi32>], vector<16xf32>,
        %gather3A_246 = tpu.vector_load_idx %arg8[%broadcast_in_dim3A_121, %broadcast_in_dim3A_195] : memref<8x50xi32, #tpu.memory_space<vmem>>[vector<16xi32>, vector<16xi32>], vector<16xi32>,
        %add3A_247 = arith.addf %gather3A_244, %gather3A_245 : vector<16xf32>
        %mul3A_248 = arith.constant 5.000000e-01 : f32
        %mul3A_249 = vector.broadcast %mul3A_248 : f32 to vector<16xf32>
        %mul3A_250 = arith.mulf %add3A_247, %mul3A_249 : vector<16xf32>
        %add3A_251 = arith.constant 1.008000e+03 : f32
        %add3A_252 = vector.broadcast %add3A_251 : f32 to vector<16xf32>
        %add3A_253 = arith.addf %mul3A_250, %add3A_252 : vector<16xf32>
        %mul3A_254 = arith.constant 1.250000e-01 : f32
        %mul3A_255 = vector.broadcast %mul3A_254 : f32 to vector<16xf32>
        %mul3A_256 = arith.mulf %add3A_253, %mul3A_255 : vector<16xf32>
        %convert_element_type3A_257 = arith.fptosi %mul3A_256 : vector<16xf32> to vector<16xi32>
        %sub3A_258 = arith.constant 127 : i32
        %sub3A_259 = vector.broadcast %sub3A_258 : i32 to vector<16xi32>
        %sub3A_260 = arith.subi %convert_element_type3A_257, %sub3A_259 : vector<16xi32>
        %convert_element_type3A_261 = arith.sitofp %sub3A_260 : vector<16xi32> to vector<16xf32>
        %mul3A_262 = arith.constant 8.000000e+00 : f32
        %mul3A_263 = vector.broadcast %mul3A_262 : f32 to vector<16xf32>
        %mul3A_264 = arith.mulf %convert_element_type3A_261, %mul3A_263 : vector<16xf32>
        %add3A_265 = arith.constant 8.000000e+00 : f32
        %add3A_266 = vector.broadcast %add3A_265 : f32 to vector<16xf32>
        %add3A_267 = arith.addf %mul3A_264, %add3A_266 : vector<16xf32>
        %gt3A_268 = arith.cmpf ogt, %add3A_267, %mul3A_250 : vector<16xf32>
        %jit3A_269 = arith.constant 1 : i32
        %jit3A_270 = arith.constant 0 : i32
        %broadcast_in_dim3A_271 = vector.broadcast %jit3A_269 : i32 to vector<16xi32>
        %broadcast_in_dim3A_272 = vector.broadcast %jit3A_270 : i32 to vector<16xi32>
        %select_n3A_273 = arith.select %gt3A_268, %broadcast_in_dim3A_271, %broadcast_in_dim3A_272 : vector<16xi1>, vector<16xi32>
        %sub3A_274 = arith.subi %sub3A_260, %select_n3A_273 : vector<16xi32>
        %mul3A_275 = arith.constant 8.000000e+00 : f32
        %mul3A_276 = vector.broadcast %mul3A_275 : f32 to vector<16xf32>
        %mul3A_277 = arith.mulf %convert_element_type3A_261, %mul3A_276 : vector<16xf32>
        %add3A_278 = arith.constant 1.600000e+01 : f32
        %add3A_279 = vector.broadcast %add3A_278 : f32 to vector<16xf32>
        %add3A_280 = arith.addf %mul3A_277, %add3A_279 : vector<16xf32>
        %gt3A_281 = arith.cmpf ogt, %add3A_280, %mul3A_250 : vector<16xf32>
        %jit3A_282 = arith.constant 0 : i32
        %jit3A_283 = arith.constant 1 : i32
        %broadcast_in_dim3A_284 = vector.broadcast %jit3A_282 : i32 to vector<16xi32>
        %broadcast_in_dim3A_285 = vector.broadcast %jit3A_283 : i32 to vector<16xi32>
        %select_n3A_286 = arith.select %gt3A_281, %broadcast_in_dim3A_284, %broadcast_in_dim3A_285 : vector<16xi1>, vector<16xi32>
        %add3A_287 = arith.addi %sub3A_274, %select_n3A_286 : vector<16xi32>
        %add3A_288 = arith.addi %add3A_287, %select_n3A_76 : vector<16xi32>
        %add3A_289 = arith.addi %add3A_235, %select_n3A_107 : vector<16xi32>
        %ge3A_290 = arith.constant 0 : i32
        %ge3A_291 = vector.broadcast %ge3A_290 : i32 to vector<16xi32>
        %ge3A_292 = arith.cmpi sge, %add3A_288, %ge3A_291 : vector<16xi32>
        %and3A_293 = arith.andi %lt3A_110, %ge3A_292 : vector<16xi1>
        %lt3A_294 = arith.constant 128 : i32
        %lt3A_295 = vector.broadcast %lt3A_294 : i32 to vector<16xi32>
        %lt3A_296 = arith.cmpi slt, %add3A_288, %lt3A_295 : vector<16xi32>
        %and3A_297 = arith.andi %and3A_293, %lt3A_296 : vector<16xi1>
        %ge3A_298 = arith.constant 0 : i32
        %ge3A_299 = vector.broadcast %ge3A_298 : i32 to vector<16xi32>
        %ge3A_300 = arith.cmpi sge, %add3A_289, %ge3A_299 : vector<16xi32>
        %and3A_301 = arith.andi %and3A_297, %ge3A_300 : vector<16xi1>
        %lt3A_302 = arith.constant 128 : i32
        %lt3A_303 = vector.broadcast %lt3A_302 : i32 to vector<16xi32>
        %lt3A_304 = arith.cmpi slt, %add3A_289, %lt3A_303 : vector<16xi32>
        %and3A_305 = arith.andi %and3A_301, %lt3A_304 : vector<16xi1>
        %mul3A_306 = arith.constant 128 : i32
        %mul3A_307 = vector.broadcast %mul3A_306 : i32 to vector<16xi32>
        %mul3A_308 = arith.muli %add3A_289, %mul3A_307 : vector<16xi32>
        %add3A_309 = arith.addi %mul3A_308, %add3A_288 : vector<16xi32>
        %sub3A_310 = vector.broadcast %mul3A_112 : i32 to vector<16xi32>
        %sub3A_311 = arith.subi %add3A_309, %sub3A_310 : vector<16xi32>
        %ge3A_312 = arith.constant 0 : i32
        %ge3A_313 = vector.broadcast %ge3A_312 : i32 to vector<16xi32>
        %ge3A_314 = arith.cmpi sge, %sub3A_311, %ge3A_313 : vector<16xi32>
        %lt3A_315 = arith.constant 4096 : i32
        %lt3A_316 = vector.broadcast %lt3A_315 : i32 to vector<16xi32>
        %lt3A_317 = arith.cmpi slt, %sub3A_311, %lt3A_316 : vector<16xi32>
        %and3A_318 = arith.andi %ge3A_314, %lt3A_317 : vector<16xi1>
        %and3A_319 = arith.constant 4095 : i32
        %and3A_320 = vector.broadcast %and3A_319 : i32 to vector<16xi32>
        %and3A_321 = arith.andi %sub3A_311, %and3A_320 : vector<16xi32>
        %mul3A_322 = arith.constant 8 : i32
        %mul3A_323 = vector.broadcast %mul3A_322 : i32 to vector<16xi32>
        %mul3A_324 = arith.muli %add3A_288, %mul3A_323 : vector<16xi32>
        %add3A_325 = arith.constant 4 : i32
        %add3A_326 = vector.broadcast %add3A_325 : i32 to vector<16xi32>
        %add3A_327 = arith.addi %mul3A_324, %add3A_326 : vector<16xi32>
        %convert_element_type3A_328 = arith.sitofp %add3A_327 : vector<16xi32> to vector<16xf32>
        %mul3A_329 = arith.constant 8 : i32
        %mul3A_330 = vector.broadcast %mul3A_329 : i32 to vector<16xi32>
        %mul3A_331 = arith.muli %add3A_289, %mul3A_330 : vector<16xi32>
        %add3A_332 = arith.constant 4 : i32
        %add3A_333 = vector.broadcast %add3A_332 : i32 to vector<16xi32>
        %add3A_334 = arith.addi %mul3A_331, %add3A_333 : vector<16xi32>
        %convert_element_type3A_335 = arith.sitofp %add3A_334 : vector<16xi32> to vector<16xf32>
        %sub3A_336 = arith.subf %convert_element_type3A_328, %gather3A_244 : vector<16xf32>
        %sub3A_337 = arith.subf %convert_element_type3A_335, %gather3A : vector<16xf32>
        %sub3A_338 = arith.subf %gather3A_245, %convert_element_type3A_328 : vector<16xf32>
        %sub3A_339 = arith.subf %gather3A_196, %convert_element_type3A_335 : vector<16xf32>
        %add3A_340 = arith.addf %sub3A_336, %sub3A_338 : vector<16xf32>
        %add3A_341 = arith.addf %sub3A_337, %sub3A_339 : vector<16xf32>
        %mul3A_342 = arith.mulf %add3A_340, %add3A_341 : vector<16xf32>
        %min3A = arith.minimumf %sub3A_336, %sub3A_337 : vector<16xf32>
        %min3A_343 = arith.minimumf %sub3A_338, %sub3A_339 : vector<16xf32>
        %min3A_344 = arith.minimumf %min3A, %min3A_343 : vector<16xf32>
        %max3A = arith.maximumf %sub3A_336, %sub3A_337 : vector<16xf32>
        %max3A_345 = arith.maximumf %sub3A_338, %sub3A_339 : vector<16xf32>
        %max3A_346 = arith.maximumf %max3A, %max3A_345 : vector<16xf32>
        %sub3A_347 = arith.subf %convert_element_type3A_328, %mul3A_250 : vector<16xf32>
        %abs3A = math.absf %sub3A_347 : vector<16xf32>
        %sub3A_348 = arith.subf %convert_element_type3A_335, %mul3A_200 : vector<16xf32>
        %abs3A_349 = math.absf %sub3A_348 : vector<16xf32>
        %max3A_350 = arith.maximumf %abs3A, %abs3A_349 : vector<16xf32>
        %and3A_351 = arith.andi %and3A_305, %and3A_318 : vector<16xi1>
        %gt3A_352 = arith.constant 0.000000e+00 : f32
        %gt3A_353 = vector.broadcast %gt3A_352 : f32 to vector<16xf32>
        %gt3A_354 = arith.cmpf ogt, %min3A_344, %gt3A_353 : vector<16xf32>
        %and3A_355 = arith.andi %and3A_351, %gt3A_354 : vector<16xi1>
        %gt3A_356 = arith.constant -1.000000e+00 : f32
        %gt3A_357 = vector.broadcast %gt3A_356 : f32 to vector<16xf32>
        %gt3A_358 = arith.cmpf ogt, %max3A_346, %gt3A_357 : vector<16xf32>
        %and3A_359 = arith.andi %and3A_355, %gt3A_358 : vector<16xi1>
        %le3A = arith.constant 6.400000e+01 : f32
        %le3A_360 = vector.broadcast %le3A : f32 to vector<16xf32>
        %le3A_361 = arith.cmpf ole, %max3A_346, %le3A_360 : vector<16xf32>
        %and3A_362 = arith.andi %and3A_359, %le3A_361 : vector<16xi1>
        %lt3A_363 = arith.constant 1.200000e+01 : f32
        %lt3A_364 = vector.broadcast %lt3A_363 : f32 to vector<16xf32>
        %lt3A_365 = arith.cmpf olt, %max3A_350, %lt3A_364 : vector<16xf32>
        %and3A_366 = arith.andi %and3A_362, %lt3A_365 : vector<16xi1>
        %gather3A_367 = tpu.vector_load_idx %arg15[%and3A_321] : memref<4096xf32, #tpu.memory_space<vmem>>[vector<16xi32>], vector<16xf32>,
        %lt3A_368 = arith.cmpf olt, %mul3A_342, %gather3A_367 : vector<16xf32>
        %and3A_369 = arith.andi %and3A_366, %lt3A_368 : vector<16xi1>
        %min3A_370 = arith.minimumf %sub3A_336, %sub3A_338 : vector<16xf32>
        %min3A_371 = arith.minimumf %sub3A_337, %sub3A_339 : vector<16xf32>
        %mul3A_372 = arith.mulf %min3A_370, %min3A_371 : vector<16xf32>
        %max3A_373 = arith.maximumf %sub3A_336, %sub3A_338 : vector<16xf32>
        %max3A_374 = arith.maximumf %sub3A_337, %sub3A_339 : vector<16xf32>
        %mul3A_375 = arith.mulf %max3A_373, %max3A_374 : vector<16xf32>
        %add3A_376 = arith.constant 1.000000e-10 : f32
        %add3A_377 = vector.broadcast %add3A_376 : f32 to vector<16xf32>
        %add3A_378 = arith.addf %mul3A_375, %add3A_377 : vector<16xf32>
        %div3A_379 = arith.divf %mul3A_372, %add3A_378 : vector<16xf32>
        %bitcast3A = vector.bitcast %div3A_379 : vector<16xf32> to vector<16xi32>
        %shift_right_arithmetic3A = arith.constant 1 : i32
        %shift_right_arithmetic3A_380 = vector.broadcast %shift_right_arithmetic3A : i32 to vector<16xi32>
        %shift_right_arithmetic3A_381 = arith.shrsi %bitcast3A, %shift_right_arithmetic3A_380 : vector<16xi32>
        %sub3A_382 = arith.constant 1597463007 : i32
        %sub3A_383 = vector.broadcast %sub3A_382 : i32 to vector<16xi32>
        %sub3A_384 = arith.subi %sub3A_383, %shift_right_arithmetic3A_381 : vector<16xi32>
        %bitcast3A_385 = vector.bitcast %sub3A_384 : vector<16xi32> to vector<16xf32>
        %mul3A_386 = arith.constant 5.000000e-01 : f32
        %mul3A_387 = vector.broadcast %mul3A_386 : f32 to vector<16xf32>
        %mul3A_388 = arith.mulf %mul3A_387, %div3A_379 : vector<16xf32>
        %mul3A_389 = arith.mulf %mul3A_388, %bitcast3A_385 : vector<16xf32>
        %mul3A_390 = arith.mulf %mul3A_389, %bitcast3A_385 : vector<16xf32>
        %sub3A_391 = arith.constant 1.500000e+00 : f32
        %sub3A_392 = vector.broadcast %sub3A_391 : f32 to vector<16xf32>
        %sub3A_393 = arith.subf %sub3A_392, %mul3A_390 : vector<16xf32>
        %mul3A_394 = arith.mulf %bitcast3A_385, %sub3A_393 : vector<16xf32>
        %mul3A_395 = arith.constant 5.000000e-01 : f32
        %mul3A_396 = vector.broadcast %mul3A_395 : f32 to vector<16xf32>
        %mul3A_397 = arith.mulf %mul3A_396, %div3A_379 : vector<16xf32>
        %mul3A_398 = arith.mulf %mul3A_397, %mul3A_394 : vector<16xf32>
        %mul3A_399 = arith.mulf %mul3A_398, %mul3A_394 : vector<16xf32>
        %sub3A_400 = arith.constant 1.500000e+00 : f32
        %sub3A_401 = vector.broadcast %sub3A_400 : f32 to vector<16xf32>
        %sub3A_402 = arith.subf %sub3A_401, %mul3A_399 : vector<16xf32>
        %mul3A_403 = arith.mulf %mul3A_394, %sub3A_402 : vector<16xf32>
        %mul3A_404 = arith.constant 5.000000e-01 : f32
        %mul3A_405 = vector.broadcast %mul3A_404 : f32 to vector<16xf32>
        %mul3A_406 = arith.mulf %mul3A_405, %div3A_379 : vector<16xf32>
        %mul3A_407 = arith.mulf %mul3A_406, %mul3A_403 : vector<16xf32>
        %mul3A_408 = arith.mulf %mul3A_407, %mul3A_403 : vector<16xf32>
        %sub3A_409 = arith.constant 1.500000e+00 : f32
        %sub3A_410 = vector.broadcast %sub3A_409 : f32 to vector<16xf32>
        %sub3A_411 = arith.subf %sub3A_410, %mul3A_408 : vector<16xf32>
        %mul3A_412 = arith.mulf %mul3A_403, %sub3A_411 : vector<16xf32>
        %mul3A_413 = arith.mulf %div3A_379, %mul3A_412 : vector<16xf32>
        tpu.vector_store_idx %arg15[%and3A_321], %mul3A_342 masked %and3A_369 : memref<4096xf32, #tpu.memory_space<vmem>>[vector<16xi32>], vector<16xf32>, vector<16xi1>
        tpu.vector_store_idx %arg14[%and3A_321], %mul3A_413 masked %and3A_369 : memref<4096xf32, #tpu.memory_space<vmem>>[vector<16xi32>], vector<16xf32>, vector<16xi1>
        tpu.vector_store_idx %arg13[%and3A_321], %gather3A_246 masked %and3A_369 : memref<4096xi32, #tpu.memory_space<vmem>>[vector<16xi32>], vector<16xi32>, vector<16xi1>
        tpu.vector_store_idx %arg9[%and3A_321], %sub3A_336 masked %and3A_369 : memref<4096xf32, #tpu.memory_space<vmem>>[vector<16xi32>], vector<16xf32>, vector<16xi1>
        tpu.vector_store_idx %arg10[%and3A_321], %sub3A_337 masked %and3A_369 : memref<4096xf32, #tpu.memory_space<vmem>>[vector<16xi32>], vector<16xf32>, vector<16xi1>
        tpu.vector_store_idx %arg11[%and3A_321], %sub3A_338 masked %and3A_369 : memref<4096xf32, #tpu.memory_space<vmem>>[vector<16xi32>], vector<16xf32>, vector<16xi1>
        tpu.vector_store_idx %arg12[%and3A_321], %sub3A_339 masked %and3A_369 : memref<4096xf32, #tpu.memory_space<vmem>>[vector<16xi32>], vector<16xf32>, vector<16xi1>
      } else {
      }
    }
    %scan3A_129 = arith.constant 50 : i32
    %mul3A_130 = arith.constant 4096 : i32
    %mul3A_131 = arith.muli %add3A, %mul3A_130 : i32
    %dma_start3A_132 = tpu.memref_slice %arg4[%mul3A_131] : memref<131072xi32, #tpu.memory_space<hbm>> -> memref<4096xi32, #tpu.memory_space<hbm>>
    %dma_start3A_133 = tpu.memref_slice %arg4[%mul3A_131] : memref<131072xi32, #tpu.memory_space<hbm>> -> memref<4096xi32, #tpu.memory_space<hbm>>
    tpu.enqueue_dma source(%arg13 : memref<4096xi32, #tpu.memory_space<vmem>>) target(%dma_start3A_133 : memref<4096xi32, #tpu.memory_space<hbm>>) target_semaphore(%arg16 : memref<!tpu.dma_semaphore, #tpu.memory_space<semaphore_mem>>)
    %mul3A_134 = arith.constant 4096 : i32
    %mul3A_135 = arith.muli %add3A, %mul3A_134 : i32
    %dma_start3A_136 = tpu.memref_slice %arg5[%mul3A_135] : memref<131072xf32, #tpu.memory_space<hbm>> -> memref<4096xf32, #tpu.memory_space<hbm>>
    %dma_start3A_137 = tpu.memref_slice %arg5[%mul3A_135] : memref<131072xf32, #tpu.memory_space<hbm>> -> memref<4096xf32, #tpu.memory_space<hbm>>
    tpu.enqueue_dma source(%arg14 : memref<4096xf32, #tpu.memory_space<vmem>>) target(%dma_start3A_137 : memref<4096xf32, #tpu.memory_space<hbm>>) target_semaphore(%arg16 : memref<!tpu.dma_semaphore, #tpu.memory_space<semaphore_mem>>)
    %mul3A_138 = arith.constant 4 : i32
    %mul3A_139 = arith.muli %select_n3A, %mul3A_138 : i32
    %add3A_140 = arith.constant 0 : i32
    %add3A_141 = arith.addi %mul3A_139, %add3A_140 : i32
    %mul3A_142 = arith.constant 16384 : i32
    %mul3A_143 = arith.muli %add3A_141, %mul3A_142 : i32
    %mul3A_144 = arith.constant 4096 : i32
    %mul3A_145 = arith.muli %select_n3A_30, %mul3A_144 : i32
    %add3A_146 = arith.addi %mul3A_143, %mul3A_145 : i32
    %dma_start3A_147 = tpu.memref_slice %arg6[%add3A_146] : memref<524288xf32, #tpu.memory_space<hbm>> -> memref<4096xf32, #tpu.memory_space<hbm>>
    %dma_start3A_148 = tpu.memref_slice %arg6[%add3A_146] : memref<524288xf32, #tpu.memory_space<hbm>> -> memref<4096xf32, #tpu.memory_space<hbm>>
    tpu.enqueue_dma source(%arg9 : memref<4096xf32, #tpu.memory_space<vmem>>) target(%dma_start3A_148 : memref<4096xf32, #tpu.memory_space<hbm>>) target_semaphore(%arg16 : memref<!tpu.dma_semaphore, #tpu.memory_space<semaphore_mem>>)
    %mul3A_149 = arith.constant 4 : i32
    %mul3A_150 = arith.muli %select_n3A, %mul3A_149 : i32
    %add3A_151 = arith.constant 1 : i32
    %add3A_152 = arith.addi %mul3A_150, %add3A_151 : i32
    %mul3A_153 = arith.constant 16384 : i32
    %mul3A_154 = arith.muli %add3A_152, %mul3A_153 : i32
    %mul3A_155 = arith.constant 4096 : i32
    %mul3A_156 = arith.muli %select_n3A_30, %mul3A_155 : i32
    %add3A_157 = arith.addi %mul3A_154, %mul3A_156 : i32
    %dma_start3A_158 = tpu.memref_slice %arg6[%add3A_157] : memref<524288xf32, #tpu.memory_space<hbm>> -> memref<4096xf32, #tpu.memory_space<hbm>>
    %dma_start3A_159 = tpu.memref_slice %arg6[%add3A_157] : memref<524288xf32, #tpu.memory_space<hbm>> -> memref<4096xf32, #tpu.memory_space<hbm>>
    tpu.enqueue_dma source(%arg10 : memref<4096xf32, #tpu.memory_space<vmem>>) target(%dma_start3A_159 : memref<4096xf32, #tpu.memory_space<hbm>>) target_semaphore(%arg16 : memref<!tpu.dma_semaphore, #tpu.memory_space<semaphore_mem>>)
    %mul3A_160 = arith.constant 4 : i32
    %mul3A_161 = arith.muli %select_n3A, %mul3A_160 : i32
    %add3A_162 = arith.constant 2 : i32
    %add3A_163 = arith.addi %mul3A_161, %add3A_162 : i32
    %mul3A_164 = arith.constant 16384 : i32
    %mul3A_165 = arith.muli %add3A_163, %mul3A_164 : i32
    %mul3A_166 = arith.constant 4096 : i32
    %mul3A_167 = arith.muli %select_n3A_30, %mul3A_166 : i32
    %add3A_168 = arith.addi %mul3A_165, %mul3A_167 : i32
    %dma_start3A_169 = tpu.memref_slice %arg6[%add3A_168] : memref<524288xf32, #tpu.memory_space<hbm>> -> memref<4096xf32, #tpu.memory_space<hbm>>
    %dma_start3A_170 = tpu.memref_slice %arg6[%add3A_168] : memref<524288xf32, #tpu.memory_space<hbm>> -> memref<4096xf32, #tpu.memory_space<hbm>>
    tpu.enqueue_dma source(%arg11 : memref<4096xf32, #tpu.memory_space<vmem>>) target(%dma_start3A_170 : memref<4096xf32, #tpu.memory_space<hbm>>) target_semaphore(%arg16 : memref<!tpu.dma_semaphore, #tpu.memory_space<semaphore_mem>>)
    %mul3A_171 = arith.constant 4 : i32
    %mul3A_172 = arith.muli %select_n3A, %mul3A_171 : i32
    %add3A_173 = arith.constant 3 : i32
    %add3A_174 = arith.addi %mul3A_172, %add3A_173 : i32
    %mul3A_175 = arith.constant 16384 : i32
    %mul3A_176 = arith.muli %add3A_174, %mul3A_175 : i32
    %mul3A_177 = arith.constant 4096 : i32
    %mul3A_178 = arith.muli %select_n3A_30, %mul3A_177 : i32
    %add3A_179 = arith.addi %mul3A_176, %mul3A_178 : i32
    %dma_start3A_180 = tpu.memref_slice %arg6[%add3A_179] : memref<524288xf32, #tpu.memory_space<hbm>> -> memref<4096xf32, #tpu.memory_space<hbm>>
    %dma_start3A_181 = tpu.memref_slice %arg6[%add3A_179] : memref<524288xf32, #tpu.memory_space<hbm>> -> memref<4096xf32, #tpu.memory_space<hbm>>
    tpu.enqueue_dma source(%arg12 : memref<4096xf32, #tpu.memory_space<vmem>>) target(%dma_start3A_181 : memref<4096xf32, #tpu.memory_space<hbm>>) target_semaphore(%arg16 : memref<!tpu.dma_semaphore, #tpu.memory_space<semaphore_mem>>)
    %dma_wait3A_182 = tpu.memref_slice %arg4[%mul3A_131] : memref<131072xi32, #tpu.memory_space<hbm>> -> memref<4096xi32, #tpu.memory_space<hbm>>
    %dma_wait3A_183 = tpu.memref_slice %arg4[%mul3A_131] : memref<131072xi32, #tpu.memory_space<hbm>> -> memref<4096xi32, #tpu.memory_space<hbm>>
    tpu.wait_dma2 semaphore(%arg16 : memref<!tpu.dma_semaphore, #tpu.memory_space<semaphore_mem>>) src(%arg13 : memref<4096xi32, #tpu.memory_space<vmem>>) dst(%dma_wait3A_183 : memref<4096xi32, #tpu.memory_space<hbm>>)
    %dma_wait3A_184 = tpu.memref_slice %arg5[%mul3A_135] : memref<131072xf32, #tpu.memory_space<hbm>> -> memref<4096xf32, #tpu.memory_space<hbm>>
    %dma_wait3A_185 = tpu.memref_slice %arg5[%mul3A_135] : memref<131072xf32, #tpu.memory_space<hbm>> -> memref<4096xf32, #tpu.memory_space<hbm>>
    tpu.wait_dma2 semaphore(%arg16 : memref<!tpu.dma_semaphore, #tpu.memory_space<semaphore_mem>>) src(%arg14 : memref<4096xf32, #tpu.memory_space<vmem>>) dst(%dma_wait3A_185 : memref<4096xf32, #tpu.memory_space<hbm>>)
    %dma_wait3A_186 = tpu.memref_slice %arg6[%add3A_146] : memref<524288xf32, #tpu.memory_space<hbm>> -> memref<4096xf32, #tpu.memory_space<hbm>>
    %dma_wait3A_187 = tpu.memref_slice %arg6[%add3A_146] : memref<524288xf32, #tpu.memory_space<hbm>> -> memref<4096xf32, #tpu.memory_space<hbm>>
    tpu.wait_dma2 semaphore(%arg16 : memref<!tpu.dma_semaphore, #tpu.memory_space<semaphore_mem>>) src(%arg9 : memref<4096xf32, #tpu.memory_space<vmem>>) dst(%dma_wait3A_187 : memref<4096xf32, #tpu.memory_space<hbm>>)
    %dma_wait3A_188 = tpu.memref_slice %arg6[%add3A_157] : memref<524288xf32, #tpu.memory_space<hbm>> -> memref<4096xf32, #tpu.memory_space<hbm>>
    %dma_wait3A_189 = tpu.memref_slice %arg6[%add3A_157] : memref<524288xf32, #tpu.memory_space<hbm>> -> memref<4096xf32, #tpu.memory_space<hbm>>
    tpu.wait_dma2 semaphore(%arg16 : memref<!tpu.dma_semaphore, #tpu.memory_space<semaphore_mem>>) src(%arg10 : memref<4096xf32, #tpu.memory_space<vmem>>) dst(%dma_wait3A_189 : memref<4096xf32, #tpu.memory_space<hbm>>)
    %dma_wait3A_190 = tpu.memref_slice %arg6[%add3A_168] : memref<524288xf32, #tpu.memory_space<hbm>> -> memref<4096xf32, #tpu.memory_space<hbm>>
    %dma_wait3A_191 = tpu.memref_slice %arg6[%add3A_168] : memref<524288xf32, #tpu.memory_space<hbm>> -> memref<4096xf32, #tpu.memory_space<hbm>>
    tpu.wait_dma2 semaphore(%arg16 : memref<!tpu.dma_semaphore, #tpu.memory_space<semaphore_mem>>) src(%arg11 : memref<4096xf32, #tpu.memory_space<vmem>>) dst(%dma_wait3A_191 : memref<4096xf32, #tpu.memory_space<hbm>>)
    %dma_wait3A_192 = tpu.memref_slice %arg6[%add3A_179] : memref<524288xf32, #tpu.memory_space<hbm>> -> memref<4096xf32, #tpu.memory_space<hbm>>
    %dma_wait3A_193 = tpu.memref_slice %arg6[%add3A_179] : memref<524288xf32, #tpu.memory_space<hbm>> -> memref<4096xf32, #tpu.memory_space<hbm>>
    tpu.wait_dma2 semaphore(%arg16 : memref<!tpu.dma_semaphore, #tpu.memory_space<semaphore_mem>>) src(%arg12 : memref<4096xf32, #tpu.memory_space<vmem>>) dst(%dma_wait3A_193 : memref<4096xf32, #tpu.memory_space<hbm>>)
    return
  }
}

</mosaic_0001>

<sc_bundles>
// kernel: kernel.3.cloned.1.call-start
scs
__scs_entry_jumppad:
0x0: {  	(pc) =	sbr.rel $0x88, $3  }
0x1: {  	(tag) =	ssettag $0x0;
	lr =	simm.s32 $0x1  }
0x2: {  	[smem:$0x3F9F] =	sst lr;
	_ =	strace $0xD0000000  }
0x3: {  	_ = 	snop  }
0x4: {  	_ = 	snop  }
0x5: {  	_ = 	snop  }
0x6: {  	_ = 	snop  }
0x7: {  	_ = 	snop  }
__scs_overlays_trampoline_lowered:
0x8: {  	[smem:$0x3FAE] =	sst s0  }
0x9: {  	[smem:$0x3FAF] =	sst s1  }
0xa: {  	[smem:$0x3FB0] =	sst s2  }
0xb: {  	[smem:$0x3FB1] =	sst s3  }
0xc: {  	[smem:$0x3FB2] =	sst s4  }
0xd: {  	[smem:$0x3FB3] =	sst s5  }
0xe: {  	[smem:$0x3FB4] =	sst s6  }
0xf: {  	[smem:$0x3FB5] =	sst s7  }
0x10: {  	[smem:$0x3FB6] =	sst s8  }
0x11: {  	[smem:$0x3FB7] =	sst s9;
	s0 =	simm.s32 @!p0 $0x0  }
0x12: {  	s1 =	sld [smem:$0x3F9D];
	s0 =	simm.s32 @p0 $0x1  }
0x13: {  	[smem:$0x3FB8] =	sst s0;
	s0 =	simm.s32 @!p1 $0x0  }
0x14: {  	s2 =	sld [smem:$0x3F9C];
	s0 =	simm.s32 @p1 $0x1  }
0x15: {  	[smem:$0x3FB9] =	sst s0;
	s0 =	simm.s32 @!p2 $0x0  }
0x16: {  	s3 =	sld [smem:$0x3FDB];
	s0 =	simm.s32 @p2 $0x1  }
0x17: {  	s4 =	simm.s32 $0x1BF5;
	[smem:$0x3FBB] =	sst s0  }
0x18: {  	s0 =	sld [smem:$0x3F9E];
	_ =	swait.ge [sflag:s4], $0x0  }
0x19: {  	s7 =	sld [smem:$0x3F9F]  }
0x1a: {  	s8 =	sadd.s32 $0xFFFFE003, lr  }
0x1b: {  	s9 =	sadd.s32 $0xFFFFFEF7, lr;
	s5 =	simm.s32 $0xFFFFFFFF;
	p2 =	slt.u32 s8, $0xFFFFF086  }
0x1c: {  	p1 =	slt.u32 s9, $0xF7A;
	s5 =	simm.s32 @!p2 $0x0  }
0x1d: {  	s5 =	simm.s32 @p1 $0x1;
	p0 =	seq.s32 s7, s2  }
0x1e: {  	s7 =	smul.u32 @!p0 $0xF7A, s2;
	p2 =	seq.s32 @!p0 s5, $0x0  }
0x1f: {  	s9 =	smul.u32 $0xF7A, s1;
	s8 =	simm.s32 @!p0 $0x1BF5;
	p2 =	por !p2, p0  }
0x20: {  	[sflag:s8] =	ssyncset.s32 @!p0 $0xFFFFF086;
	s6 =	sadd.s32 @!p0 s3, s7;
	s7 =	simm.s32 @!p0 $0x108  }
0x21: {  	s3 =	sadd.s32 s3, s9;
	s6 =	sadd.s32 @!p0 $0x88, s6;
	s7 =	simm.s32 @p2 $0x1082  }
0x22: {  	[simem:s7], [sflag:s8] =	dma.local @!p0 [hbm:s6], $0xF7A  }
0x23: {  	s9 =	sor.u32 $0xD0000000, s2;
	s6 =	simm.s32 $0x108;
	_ =	swait.ge @!p0 [sflag:s8], $0x0  }
0x24: {  	s3 =	sadd.s32 $0x88, s3;
	s6 =	simm.s32 @!p1 $0x1082;
	[sflag:s4] =	ssyncset.s32 $0xFFFFF086  }
0x25: {  	[simem:s6], [sflag:s4] =	dma.local [hbm:s3], $0xF7A  }
0x26: {  	[smem:$0x3F9F] =	sst s1;
	(tag) =	ssettag s2;
	_ =	strace s9  }
0x27: {  	s1 =	sld [smem:$0x3FAF]  }
0x28: {  	s2 =	sld [smem:$0x3FB0]  }
0x29: {  	s4 =	sld [smem:$0x3FB2]  }
0x2a: {  	p0 =	seq.s32 s5, $0x0;
	s5 =	sld [smem:$0x3FB3]  }
0x2b: {  	s6 =	sld [smem:$0x3FB4]  }
0x2c: {  	s7 =	sld [smem:$0x3FB5]  }
0x2d: {  	s3 =	simm.s32 $0x108;
	s8 =	sld [smem:$0x3FB6]  }
0x2e: {  	s3 =	simm.s32 @!p0 $0x1082;
	s9 =	sld [smem:$0x3FB7]  }
0x2f: {  	lr =	sadd.s32 s0, s3;
	s0 =	sld [smem:$0x3FAE]  }
0x30: {  	s3 =	sld [smem:$0x3FB1]  }
0x31: {  	[smem:$0x3FBA] =	sst s10  }
0x32: {  	s10 =	sld [smem:$0x3FB8];
	_ =	sdelay $0x3  }
0x33: {  	p0 =	seq.s32 s10, $0x1;
	s10 =	sld [smem:$0x3FBA];
	_ =	sdelay $0x3  }
0x34: {  	[smem:$0x3FBA] =	sst s10  }
0x35: {  	s10 =	sld [smem:$0x3FB9];
	_ =	sdelay $0x3  }
0x36: {  	p1 =	seq.s32 s10, $0x1;
	s10 =	sld [smem:$0x3FBA];
	_ =	sdelay $0x3  }
0x37: {  	[smem:$0x3FBA] =	sst s10  }
0x38: {  	s10 =	sld [smem:$0x3FBB]  }
0x39: {  	_ = 	snop;
	(pc) =	sbr.ind lr, $3  }
0x3a: {  	_ = 	snop  }
0x3b: {  	_ = 	snop  }
0x3c: {  	p2 =	seq.s32 s10, $0x1;
	s10 =	sld [smem:$0x3FBA]  }
0x3d: {  	_ =	shalt  }
0x3e: {  	_ =	shalt  }
0x3f: {  	_ =	shalt  }
0x40: {  	_ =	shalt  }
0x41: {  	_ =	shalt  }
0x42: {  	_ =	shalt  }
0x43: {  	_ =	shalt  }
0x44: {  	_ =	shalt  }
0x45: {  	_ =	shalt  }
0x46: {  	_ =	shalt  }
0x47: {  	_ =	shalt  }
0x48: {  	_ =	shalt  }
0x49: {  	_ =	shalt  }
0x4a: {  	_ =	shalt  }
0x4b: {  	_ =	shalt  }
0x4c: {  	_ =	shalt  }
0x4d: {  	_ =	shalt  }
0x4e: {  	_ =	shalt  }
0x4f: {  	_ =	shalt  }
0x50: {  	_ =	shalt  }
0x51: {  	_ =	shalt  }
0x52: {  	_ =	shalt  }
0x53: {  	_ =	shalt  }
0x54: {  	_ =	shalt  }
0x55: {  	_ =	shalt  }
0x56: {  	_ =	shalt  }
0x57: {  	_ =	shalt  }
0x58: {  	_ =	shalt  }
0x59: {  	_ =	shalt  }
0x5a: {  	_ =	shalt  }
0x5b: {  	_ =	shalt  }
0x5c: {  	_ =	shalt  }
0x5d: {  	_ =	shalt  }
0x5e: {  	_ =	shalt  }
0x5f: {  	_ =	shalt  }
0x60: {  	_ =	shalt  }
0x61: {  	_ =	shalt  }
0x62: {  	_ =	shalt  }
0x63: {  	_ =	shalt  }
0x64: {  	_ =	shalt  }
0x65: {  	_ =	shalt  }
0x66: {  	_ =	shalt  }
0x67: {  	_ =	shalt  }
0x68: {  	_ =	shalt  }
0x69: {  	_ =	shalt  }
0x6a: {  	_ =	shalt  }
0x6b: {  	_ =	shalt  }
0x6c: {  	_ =	shalt  }
0x6d: {  	_ =	shalt  }
0x6e: {  	_ =	shalt  }
0x6f: {  	_ =	shalt  }
0x70: {  	_ =	shalt  }
0x71: {  	_ =	shalt  }
0x72: {  	_ =	shalt  }
0x73: {  	_ =	shalt  }
0x74: {  	_ =	shalt  }
0x75: {  	_ =	shalt  }
0x76: {  	_ =	shalt  }
0x77: {  	_ =	shalt  }
0x78: {  	_ =	shalt  }
0x79: {  	_ =	shalt  }
0x7a: {  	_ =	shalt  }
0x7b: {  	_ =	shalt  }
0x7c: {  	_ =	shalt  }
0x7d: {  	_ =	shalt  }
0x7e: {  	_ =	shalt  }
0x7f: {  	_ =	shalt  }
0x80: {  	_ =	shalt  }
0x81: {  	_ =	shalt  }
0x82: {  	_ =	shalt  }
0x83: {  	_ =	shalt  }
0x84: {  	_ =	shalt  }
0x85: {  	_ =	shalt  }
0x86: {  	_ =	shalt  }
0x87: {  	_ =	shalt  }
.Lfunc_end0:
.L_simem_size_0:
called_computation_lowered:
.L_overlay_start_0:
0x88: {  	s2 =	sld [smem:$0x3FD9]  }
0x89: {  	s3 =	sld [smem:$0x3FFE];
	_ =	sdelay $0x1  }
0x8a: {  	s1 =	srdreg.scid  }
0x8b: {  	s0 =	sand.u32 $0x1, s1  }
0x8c: {  	s14 =	sshll.u32 s0, $0xA;
	s2 =	sadd.s32 s3, s2  }
0x8d: {  	s2 =	sadd.s32 s2, s14  }
0x8e: {  	[smem:$0x3FC6] =	sst s2  }
0x8f: {  	_ = 	snop  }
0x90: {  	s2 =	sld [smem:$0x3FD0];
	_ =	sdelay $0x2  }
0x91: {  	s4 =	simm.s32 $0xA;
	s5 =	simm.s32 $0x10;
	s15 =	sld [smem:$0x3FC8]  }
0x92: {  	[smem:s5], [sflag:s4] =	dma.local [hbm:s2], $0x1  }
0x93: {  	_ =	swait.eq [sflag:s4], $0x1  }
0x94: {  	s16 =	sld [smem:$0x10];
	[sflag:s4] =	ssyncset.done $0x0  }
0x95: {  	s17 =	sld [smem:$0x11];
	[sflag:s4] =	ssyncadd.s32 $0xFFFFFFFF  }
0x96: {  	s18 =	sld [smem:$0x12];
	(tm) =	ssettm $0x1  }
0x97: {  	s6 =	sld [smem:$0x3FFB];
	_ =	sdelay $0x3  }
0x98: {  	_ =	strace s6  }
0x99: {  	s6 =	sld [smem:$0x3FFC];
	_ =	sdelay $0x3  }
0x9a: {  	_ =	strace s6  }
0x9b: {  	s6 =	sld [smem:$0x3FFD];
	_ =	sdelay $0x3  }
0x9c: {  	_ =	strace s6  }
0x9d: {  	_ =	strace $0x8FFFFFFF  }
0x9e: {  	s19 =	sld [smem:$0x3FDB];
	_ =	sdelay $0x1  }
0x9f: {  	s7 =	simm.s32 $_scs_section_size  }
0xa0: {  	s8 =	simm.s32 $_size__tile_overlayer_lowered;
	s9 =	simm.s32 $_tile_overlayer_lowered  }
0xa1: {  	s22 =	simm.s32 $0x1BFF;
	s21 =	sshll.u32 s9, $0x1;
	s6 =	sadd.s32 s7, s19  }
0xa2: {  	s10 =	simm.s32 $0x0;
	s20 =	sshll.u32 s8, $0x1;
	s8 =	sadd.s32 s21, s6  }
0xa3: {  	[timem:s10], [sflag:s22] =	dma.local [hbm:s8], s20  }
0xa4: {  	_ =	swait.ge [sflag:s22], s20  }
0xa5: {  	s7 =	ssub.s32 $0x0, s20;
	[sflag:s22] =	ssyncset.done $0x0  }
0xa6: {  	[sflag:s22] =	ssyncadd.s32 s7;
	_ =	sdelay $0x1  }
0xa7: {  	s23 =	simm.s32 $0x1B8B  }
0xa8: {  	_ =	swait.ge [sflag:s23], $0x1  }
0xa9: {  	[sflag:s23] =	ssyncset.done $0x0  }
0xaa: {  	s25 =	simm.s32 $0x1B8E;
	s24 =	sld [smem:$0x3FFE];
	[sflag:s23] =	ssyncadd.s32 $0xFFFFFFFF  }
0xab: {  	s26 =	simm.s32 $execute0_lowered;
	[smem:$0x3FD2] =	sst s25  }
0xac: {  	s8 =	sshll.u32 s26, $0x1;
	_ =	strace $0x80000046;
	[dreg:$0x1] =	wrdreg $0xFFFFFFFF  }
0xad: {  	s28 =	simm.s32 $_size_execute0_lowered;
	s6 =	sadd.s32 s6, s8;
	[dreg:$0x0] =	wrdreg $0x0  }
0xae: {  	s8 =	sshll.u32 s28, $0x1;
	[dreg:$0x2] =	wrdreg s6  }
0xaf: {  	[dreg:$0x3] =	wrdreg s8  }
0xb0: {  	[dreg:$0x4] =	wrdreg $0xC0  }
0xb1: {  	_ =	task [dreg:s10], $0x5FFFF  }
0xb2: {  	[dreg:$0x1] =	wrdreg $0xFFFFFFFF  }
0xb3: {  	[dreg:$0x0] =	wrdreg $0x60  }
0xb4: {  	[dreg:$0x2] =	wrdreg s18  }
0xb5: {  	[dreg:$0x3] =	wrdreg s15  }
0xb6: {  	[dreg:$0x4] =	wrdreg s16  }
0xb7: {  	[dreg:$0x5] =	wrdreg s17  }
0xb8: {  	[dreg:$0x6] =	wrdreg s24  }
0xb9: {  	[dreg:$0x7] =	wrdreg $0x9  }
0xba: {  	_ =	task.clear_ibuf [dreg:s10], $0x8FFFF;
	_ =	strace $0x90000046  }
0xbb: {  	s29 =	simm.s32 $0x9;
	_ =	strace $0x80000048  }
0xbc: {  	_ =	swait.ge [sflag:s29], $0x1  }
0xbd: {  	[sflag:s29] =	ssyncadd.s32 $0xFFFFFFFF  }
0xbe: {  	_ =	strace $0x90000048  }
0xbf: {  	_ =	sfence  }
0xc0: {  	s30 =	sld [smem:$0x0];
	_ =	sdelay $0x2  }
0xc1: {  	s31 =	sshll.u32 s1, $0xD;
	s1 =	sshrl.u32 s1, $0x2  }
0xc2: {  	s3 =	sand.u32 $0x4000, s31;
	s1 =	sadd.s32 s1, s30  }
0xc3: {  	s0 =	sor.u32 s3, s0;
	s1 =	sshll.u32 s1, $0x11  }
0xc4: {  	s0 =	sor.u32 s1, s0  }
0xc5: {  	s0 =	sadd.s32 $0x8F2B, s0  }
0xc6: {  	[sflag:s0] =	ssyncadd.remote.s32 $0x1  }
0xc7: {  	_ =	sfence.sel $0xFFFF  }
0xc8: {  	[dreg:$0x0] =	wrdreg $0xFFFFFFFF;
	(pc) =	sbr.abs _section_cstart, $3  }
0xc9: {  	[dreg:$0x1] =	wrdreg $0xFFFFFFFF  }
0xca: {  	_ =	task.clear_ibuf [dreg:s10], $0x2FFFF;
	_ =	strace $0x9FFFFFFF  }
0xcb: {  	(tm) =	ssettm $0x7FFFFFFF  }
tec
execute0_lowered:
.L_overlay_start_1:
0x0: {  	(tag) =	ssettag $0x1  }
0x1: {  	s5 =	rddreg [dreg:$0x0]  }
0x2: {  	s1 =	rddreg [dreg:$0x1]  }
0x3: {  	s8 =	rddreg [dreg:$0x2]  }
0x4: {  	s9 =	rddreg [dreg:$0x3]  }
0x5: {  	s2 =	srdreg.scid;
	s0 =	stileid.u32  }
0x6: {  	s4 =	rddreg [dreg:$0x4];
	s16 =	simm.s32 $0x1;
	s17 =	simm.s32 $0x8000  }
0x7: {  	s18 =	simm.s32 $0x7000;
	s19 =	simm.s32 $0x6000;
	s20 =	simm.s32 $0x2000  }
0x8: {  	s21 =	simm.s32 $0x3000;
	s22 =	simm.s32 $0x4000;
	s23 =	simm.s32 $0x5000  }
0x9: {  	s24 =	simm.s32 $0x0;
	s6 =	sand.u32 $0x1, s2;
	s3 =	sshll.u32 s0, $0x1  }
0xa: {  	v1 =	vimm.s32 $0xFEA540;
	v2 =	vimm.s32 $0x81838282;
	s2 =	rddreg [dreg:$0x5];
	s10 =	sshrl.u32 s0, $0x1;
	s7 =	sor.u32 s6, s3  }
0xb: {  	v3 =	vimm.s32 $0x82818383;
	v1 =	vunpack.c.l.s2.s4 v1;
	v2 =	vunpack.c.0.s8.s32 v2;
	s3 =	simm.s32 $0x0;
	s13 =	sshll.u32 s10, $0x10;
	s6 =	ssub.s32 $0x2, s6  }
0xc: {  	vm0 =	vcmask $0x1304;
	v4 =	vimm.s32 $0x83828281;
	v3 =	vunpack.c.0.s8.s32 v3;
	s15 =	smul.u32 $0x380, s10;
	s11 =	sand.u32 $0x3, s7;
	[smem:$0x7FF] =	sst s3  }
0xd: {  	s14 =	sshrl.u32 s6, $0x1;
	s31 =	sshll.u32 s7, $0x9;
	v1 =	vunpack.c.l.s4.s8 v1;
	s7 =	sshll.u32 s10, $0x7;
	v2 =	vnsel vm0, $0xFFFFFF81, v2;
	vm0 =	vcmask $0x2314  }
0xe: {  	v4 =	vunpack.c.0.s8.s32 v4;
	s12 =	sshll.u32 s11, $0xC;
	_ =	strace $0x80000047;
	s14 =	ssub.s32 s6, s14;
	v2 =	vsel vm0, v3, v2  }
.Ltmp0:
0xf: {  	s5 =	sadd.s32 s5, s15;
	vm0 =	vcmask $0x3728;
	s13 =	sor.u32 s13, s12;
	v0 =	vmov s12;
	v3 =	vunpack.c.0.s8.s32 v1;
	(pc) =	sbr.rel .LBB2_1-.Ltmp0, $4  }
0x10: {  	s8 =	sadd.s32 s8, s31;
	s9 =	sadd.s32 s9, s31;
	v1 =	vimm.f32 $-1.000000000e+00;
	v2 =	vsel vm0, v4, v2;
	vm0 =	vcmask $0x3B38;
	s13 =	sshrl.u32 s13, $0x3  }
0x11: {  	s15 =	simm.s32 $0x1C00;
	v2 =	vsel vm0, $0xFFFFFF83, v2;
	vm0 =	vcmask $0x2F00;
	s13 =	sadd.s32 s13, s4;
	s4 =	sshll.u32 s11, $0x5;
	v4 =	vand.u32 $0x3, v3  }
0x12: {  	s14 =	smax.u32 s14, $0x1;
	v3 =	vimm.s32 $0x0;
	s6 =	sadd.s32 $0x20, s4;
	s10 =	sadd.s32 $0x800, s13;
	v5 =	vnsel vm0, $0x5, v4;
	vm0 =	vcmask $0x3B30  }
0x13: {  	s11 =	sadd.s32 $0x1000, s13;
	s12 =	sadd.s32 $0x1800, s13;
	s13 =	sadd.s32 $0x2000, s13;
	v4 =	vimm.f32 $1.000000000e+08;
	v5 =	vsel vm0, $0x4, v5;
	vm0 =	vmmov $0x1ff  }
.LBB2_7:
0x14: {  	[hbm4b:s8+s3] =	stream.linear.scatter [tilespmem:s19], [sflag:$0x1], $0x1000, $0x38;
	[tilespmem:$0x9000] =	vst v63  }
0x15: {  	_ = 	snop  }
0x16: {  	[hbm4b:s9+s3] =	stream.linear.scatter [tilespmem:s18], [sflag:$0x1], $0x1000, $0x38;
	[tilespmem:$0x9000] =	vst v63  }
0x17: {  	_ = 	snop  }
0x18: {  	[hbm4b:s10+s3] =	stream.linear.scatter [tilespmem:s20], [sflag:$0x1], $0x1000, $0x38;
	[tilespmem:$0x9000] =	vst v63  }
0x19: {  	_ = 	snop  }
0x1a: {  	[hbm4b:s11+s3] =	stream.linear.scatter [tilespmem:s21], [sflag:$0x1], $0x1000, $0x38;
	[tilespmem:$0x9000] =	vst v63  }
0x1b: {  	_ = 	snop  }
0x1c: {  	[hbm4b:s12+s3] =	stream.linear.scatter [tilespmem:s22], [sflag:$0x1], $0x1000, $0x38;
	[tilespmem:$0x9000] =	vst v63  }
0x1d: {  	_ = 	snop  }
0x1e: {  	[hbm4b:s13+s3] =	stream.linear.scatter [tilespmem:s23], [sflag:$0x1], $0x1000, $0x38;
	[tilespmem:$0x9000] =	vst v63  }
0x1f: {  	_ =	swait.ge [sflag:s16], $0x1000  }
0x20: {  	[sflag:s16] =	ssyncset.done $0x0  }
0x21: {  	[sflag:s16] =	ssyncadd.s32 $0xFFFFF000  }
0x22: {  	_ =	swait.ge [sflag:s16], $0x1000  }
0x23: {  	[sflag:s16] =	ssyncset.done $0x0  }
0x24: {  	[sflag:s16] =	ssyncadd.s32 $0xFFFFF000  }
0x25: {  	_ =	swait.ge [sflag:s16], $0x1000  }
0x26: {  	[sflag:s16] =	ssyncset.done $0x0  }
0x27: {  	[sflag:s16] =	ssyncadd.s32 $0xFFFFF000  }
0x28: {  	_ =	swait.ge [sflag:s16], $0x1000  }
0x29: {  	[sflag:s16] =	ssyncset.done $0x0  }
0x2a: {  	s24 =	sadd.s32 $0x1, s24;
	[sflag:s16] =	ssyncadd.s32 $0xFFFFF000  }
0x2b: {  	p0 =	sne.s32 s24, s14;
	_ =	swait.ge [sflag:s16], $0x1000  }
.Ltmp1:
0x2c: {  	[sflag:s16] =	ssyncset.done $0x0;
	(pc) =	sbr.rel @!p0 .LBB2_8-.Ltmp1, $4  }
0x2d: {  	[sflag:s16] =	ssyncadd.s32 $0xFFFFF000  }
0x2e: {  	_ =	swait.ge [sflag:s16], $0x1000  }
0x2f: {  	[sflag:s16] =	ssyncset.done $0x0  }
0x30: {  	[sflag:s16] =	ssyncadd.s32 $0xFFFFF000  }
.LBB2_1:
0x31: {  	[tilespmem:s3], [sflag:$0x1] =	stream.linear.gather [hbm4b:s5+s3], $0x1900, $0x38;
	[tilespmem:$0x9000] =	vst v63  }
0x32: {  	s25 =	simm.s32 $0x0;
	s26 =	simm.s32 $0x100  }
0x33: {  	[tilespmem:s15], [sflag:$0x1] =	stream.linear.gather [hbm4b:s1+s3], $0x400, $0x38;
	[tilespmem:$0x9000] =	vst v63  }
.LBB2_2:
0x34: {  	p0 =	sne.s32 s26, $0x3F00;
	[tilespmem:s25+$0x8030] =	vst v4  }
0x35: {  	[tilespmem:s25+$0x2000] =	vst v1  }
0x36: {  	[tilespmem:s25+$0x3000] =	vst v1  }
0x37: {  	[tilespmem:s25+$0x4000] =	vst v1  }
0x38: {  	[tilespmem:s25+$0x5000] =	vst v1  }
0x39: {  	[tilespmem:s25+$0x6000] =	vst v3  }
0x3a: {  	[tilespmem:s25+$0x7000] =	vst v1  }
0x3b: {  	[tilespmem:s25+$0x8000] =	vst v4  }
0x3c: {  	[tilespmem:s25+$0x2010] =	vst v1  }
0x3d: {  	[tilespmem:s25+$0x3010] =	vst v1  }
0x3e: {  	[tilespmem:s25+$0x4010] =	vst v1  }
0x3f: {  	[tilespmem:s25+$0x5010] =	vst v1  }
0x40: {  	[tilespmem:s25+$0x6010] =	vst v3  }
0x41: {  	[tilespmem:s25+$0x7010] =	vst v1  }
0x42: {  	[tilespmem:s25+$0x8010] =	vst v4  }
0x43: {  	[tilespmem:s25+$0x2020] =	vst v1  }
0x44: {  	[tilespmem:s25+$0x3020] =	vst v1  }
0x45: {  	[tilespmem:s25+$0x4020] =	vst v1  }
0x46: {  	[tilespmem:s25+$0x5020] =	vst v1  }
0x47: {  	[tilespmem:s25+$0x6020] =	vst v3  }
0x48: {  	[tilespmem:s25+$0x7020] =	vst v1  }
0x49: {  	[tilespmem:s25+$0x8020] =	vst v4  }
0x4a: {  	[tilespmem:s25+$0x2030] =	vst v1  }
.Ltmp2:
0x4b: {  	[tilespmem:s25+$0x3030] =	vst v1;
	(pc) =	sbr.rel @p0 .LBB2_2-.Ltmp2, $4  }
0x4c: {  	[tilespmem:s25+$0x4030] =	vst v1  }
0x4d: {  	[tilespmem:s25+$0x5030] =	vst v1  }
0x4e: {  	[tilespmem:s25+$0x6030] =	vst v3  }
0x4f: {  	[tilespmem:s25+$0x7030] =	vst v1;
	s25 =	sshra.s32 s26, $0x2;
	s26 =	sadd.s32 $0x100, s26  }
0x50: {  	[tilespmem:s25+$0x8030] =	vst v4  }
0x51: {  	[tilespmem:s25+$0x2000] =	vst v1  }
0x52: {  	[tilespmem:s25+$0x3000] =	vst v1  }
0x53: {  	[tilespmem:s25+$0x4000] =	vst v1  }
0x54: {  	[tilespmem:s25+$0x5000] =	vst v1  }
0x55: {  	[tilespmem:s25+$0x6000] =	vst v3  }
0x56: {  	[tilespmem:s25+$0x7000] =	vst v1  }
0x57: {  	[tilespmem:s25+$0x8000] =	vst v4  }
0x58: {  	[tilespmem:s25+$0x2010] =	vst v1  }
0x59: {  	[tilespmem:s25+$0x3010] =	vst v1  }
0x5a: {  	[tilespmem:s25+$0x4010] =	vst v1  }
0x5b: {  	[tilespmem:s25+$0x5010] =	vst v1  }
0x5c: {  	[tilespmem:s25+$0x6010] =	vst v3  }
0x5d: {  	[tilespmem:s25+$0x7010] =	vst v1  }
0x5e: {  	[tilespmem:s25+$0x8010] =	vst v4  }
0x5f: {  	[tilespmem:s25+$0x2020] =	vst v1  }
0x60: {  	[tilespmem:s25+$0x3020] =	vst v1  }
0x61: {  	[tilespmem:s25+$0x4020] =	vst v1  }
0x62: {  	[tilespmem:s25+$0x5020] =	vst v1  }
0x63: {  	[tilespmem:s25+$0x6020] =	vst v3  }
0x64: {  	[tilespmem:s25+$0x7020] =	vst v1  }
0x65: {  	[tilespmem:s25+$0x8020] =	vst v4  }
0x66: {  	[tilespmem:s25+$0x2030] =	vst v1  }
0x67: {  	[tilespmem:s25+$0x3030] =	vst v1  }
0x68: {  	[tilespmem:s25+$0x4030] =	vst v1  }
0x69: {  	[tilespmem:s25+$0x5030] =	vst v1  }
0x6a: {  	[tilespmem:s25+$0x6030] =	vst v3  }
0x6b: {  	[tilespmem:s25+$0x7030] =	vst v1  }
0x6c: {  	_ =	swait.ge [sflag:s16], $0x1900  }
.Ltmp3:
0x6d: {  	[sflag:s16] =	ssyncset.done $0x0;
	(pc) =	sbr.rel .LBB2_4-.Ltmp3, $4  }
0x6e: {  	[sflag:s16] =	ssyncadd.s32 $0xFFFFE700  }
0x6f: {  	_ =	swait.ge [sflag:s16], $0x400  }
0x70: {  	[sflag:s16] =	ssyncset.done $0x0  }
0x71: {  	s25 =	simm.s32 $0x0;
	[sflag:s16] =	ssyncadd.s32 $0xFFFFFC00  }
.LBB2_6:
0x72: {  	s25 =	sadd.s32 $0x1, s25  }
0x73: {  	p0 =	sne.s32 s25, $0x32  }
.Ltmp4:
0x74: {  	_ = 	snop;
	(pc) =	sbr.rel @!p0 .LBB2_7-.Ltmp4, $1  }
0x75: {  	_ =	sdelay $0x3  }
.LBB2_4:
0x76: {  	v6 =	vmov s25  }
0x77: {  	v6 =	vshll.u32 v6, $0x7  }
0x78: {  	v9 =	vbroadcast v6, $0x0;
	_ =	sdelay $0x1  }
0x79: {  	v6 =	vor.u32 $0x1, v9  }
0x7a: {  	v7 =	vor.u32 $0x3, v9;
	_ =	sdelay $0x3  }
0x7b: {  	v8 =	vld.idx.msk [tilespmem:v6+s3+$0x0], $0xffff  }
0x7c: {  	v7 =	vld.idx.msk [tilespmem:v7+s3+$0x0], $0xffff;
	_ =	sdelay $0x4  }
0x7d: {  	v6 =	vadd.f32 v7, v8;
	_ =	sdelay $0x1  }
0x7e: {  	v6 =	vmul.f32 $5.000000000e-01, v6;
	_ =	sdelay $0x1  }
0x7f: {  	v10 =	vadd.f32 $1.008000000e+03, v6;
	_ =	sdelay $0x1  }
0x80: {  	v10 =	vmul.f32 $1.250000000e-01, v10;
	_ =	sdelay $0x1  }
0x81: {  	v10 =	vtrunc.f32 v10  }
0x82: {  	v10 =	vcvt.f32.s32 v10;
	_ =	sdelay $0x1  }
0x83: {  	v10 =	vadd.s32 $0xFFFFFF81, v10  }
0x84: {  	v11 =	vcvt.s32.f32 v10;
	_ =	sdelay $0x1  }
0x85: {  	v11 =	vmul.f32 $8.000000000e+00, v11;
	_ =	sdelay $0x1  }
0x86: {  	v12 =	vadd.f32 $8.000000000e+00, v11;
	v11 =	vadd.f32 $1.600000000e+01, v11;
	_ =	sdelay $0x1  }
0x87: {  	vm1 =	vgt.f32 v12, v6;
	vm2 =	vgt.f32 v11, v6  }
0x88: {  	v11 =	vsel vm1, $0xFFFFFFFF, v3;
	vm1 =	vmneg vm2  }
0x89: {  	v10 =	vadd.s32 v11, v10;
	v11 =	vsel vm1, $0x1, v3  }
0x8a: {  	v10 =	vadd.s32 v11, v10  }
0x8b: {  	(v2sf) =	vpush v10, $0x0;
	_ =	sdelay $0xe  }
0x8c: {  	s26 =	spop (v2sf)  }
0x8d: {  	s28 =	sadd.s32 $0x2, s26;
	p0 =	sge.s32 s26, s6  }
0x8e: {  	p1 =	slt.s32 @!p0 s28, s4  }
0x8f: {  	p0 =	por p0, p1  }
.Ltmp5:
0x90: {  	_ = 	snop;
	(pc) =	sbr.rel @p0 .LBB2_6-.Ltmp5, $1  }
0x91: {  	_ =	sdelay $0x3  }
0x92: {  	v11 =	vor.u32 $0x2, v9;
	_ =	sdelay $0x3  }
0x93: {  	v47 =	vld.idx.msk [tilespmem:v9+s3+$0x0], $0xffff  }
0x94: {  	v11 =	vld.idx.msk [tilespmem:v11+s3+$0x0], $0xffff;
	_ =	sdelay $0x4  }
0x95: {  	v12 =	vadd.f32 v11, v47;
	_ =	sdelay $0x1  }
0x96: {  	v12 =	vmul.f32 $5.000000000e-01, v12;
	_ =	sdelay $0x1  }
0x97: {  	v13 =	vadd.f32 $1.008000000e+03, v12;
	_ =	sdelay $0x1  }
0x98: {  	v13 =	vmul.f32 $1.250000000e-01, v13;
	_ =	sdelay $0x1  }
0x99: {  	v13 =	vtrunc.f32 v13  }
0x9a: {  	v13 =	vcvt.f32.s32 v13;
	_ =	sdelay $0x1  }
0x9b: {  	v14 =	vadd.s32 $0xFFFFFF81, v13  }
0x9c: {  	v14 =	vcvt.s32.f32 v14;
	_ =	sdelay $0x1  }
0x9d: {  	v14 =	vmul.f32 $8.000000000e+00, v14;
	_ =	sdelay $0x1  }
0x9e: {  	v15 =	vadd.f32 $8.000000000e+00, v14;
	v14 =	vadd.f32 $1.600000000e+01, v14;
	_ =	sdelay $0x1  }
0x9f: {  	vm1 =	vgt.f32 v15, v12;
	vm2 =	vgt.f32 v14, v12  }
0xa0: {  	v48 =	vsel vm1, $0xFFFFFFFF, v3;
	vm1 =	vmneg vm2  }
0xa1: {  	v49 =	vsel vm1, $0x1, v3;
	v13 =	vadd.s32 v48, v13  }
0xa2: {  	v10 =	vadd.s32 v5, v10;
	v13 =	vadd.s32 v49, v13  }
0xa3: {  	v51 =	vshll.u32 v10, $0x3;
	v13 =	vadd.s32 v2, v13  }
0xa4: {  	v15 =	vor.u32 $0x4, v51;
	v50 =	vshll.u32 v13, $0x3  }
0xa5: {  	v15 =	vcvt.s32.f32 v15;
	v14 =	vor.u32 $0x4, v50  }
0xa6: {  	v14 =	vcvt.s32.f32 v14  }
0xa7: {  	v8 =	vsub.f32 v15, v8;
	v7 =	vsub.f32 v7, v15  }
0xa8: {  	v9 =	vsub.f32 v14, v47;
	v11 =	vsub.f32 v11, v14;
	_ =	sdelay $0x1  }
0xa9: {  	v17 =	vmax.f32 v8, v7;
	v16 =	vmax.f32 v9, v11  }
0xaa: {  	v16 =	vmul.f32 v16, v17;
	_ =	sdelay $0x1  }
0xab: {  	v16 =	vadd.f32 $1.000000010e-10, v16;
	_ =	sdelay $0x1  }
0xac: {  	(erf) = vrcp.f32 v16;
	_ =	sdelay $0x6  }
0xad: {  	v53 =	vmin.f32 v8, v7;
	v52 =	vmin.f32 v9, v11  }
0xae: {  	v16 =	vmul.f32 v52, v53  }
0xaf: {  	v54 =	vpop (erf)  }
0xb0: {  	v16 =	vmul.f32 v54, v16;
	_ =	sdelay $0x1  }
0xb1: {  	v17 =	vshra.s32 v16, $0x1;
	v18 =	vmul.f32 $5.000000000e-01, v16  }
0xb2: {  	v17 =	vsub.s32 $0x5F3759DF, v17  }
0xb3: {  	v19 =	vmul.f32 v17, v18;
	_ =	sdelay $0x1  }
0xb4: {  	v19 =	vmul.f32 v17, v19;
	_ =	sdelay $0x1  }
0xb5: {  	v20 =	vshll.u32 v10, $0x7;
	v19 =	vsub.f32 $1.500000000e+00, v19  }
0xb6: {  	v20 =	vadd.s32 v20, v13;
	v10 =	vor.u32 v10, v13;
	v13 =	vand.u32 $0x7F, v13  }
0xb7: {  	v21 =	vsub.s32 v20, v0;
	v20 =	vand.u32 $0xF80, v20;
	v17 =	vmul.f32 v17, v19  }
0xb8: {  	v6 =	vsub.f32 v15, v6;
	v56 =	vadd.f32 v7, v8;
	v13 =	vor.u32 v13, v20  }
0xb9: {  	vm1 =	vlt.u32 v10, $0x80;
	vm2 =	vlt.u32 v21, $0x1000;
	v57 =	vmul.f32 v17, v18  }
0xba: {  	v6 =	vand.u32 $0x7FFFFFFF, v6;
	vm1 =	vmand vm1, vm2;
	v12 =	vsub.f32 v14, v12  }
0xbb: {  	v55 =	vadd.f32 v11, v9;
	v58 =	vmin.f32 v9, v8;
	v10 =	vmul.f32 v57, v17  }
0xbc: {  	v59 =	vmin.f32 v11, v7;
	v60 =	vmax.f32 v9, v8;
	v61 =	vmax.f32 v11, v7  }
0xbd: {  	v12 =	vand.u32 $0x7FFFFFFF, v12;
	v20 =	vmin.f32 v58, v59;
	v62 =	vld.idx.msk [tilespmem:v13+s17+$0x0], $0xffff;
	v10 =	vsub.f32 $1.500000000e+00, v10  }
0xbe: {  	v14 =	vmax.f32 v60, v61;
	v6 =	vmax.f32 v12, v6;
	vm2 =	vgt.f32 v20, $0.0e+00  }
0xbf: {  	vm1 =	vmand vm1, vm2;
	vm2 =	vgt.f32 v14, $-1.000000000e+00;
	v10 =	vmul.f32 v10, v17  }
0xc0: {  	vm1 =	vmand vm1, vm2;
	vm2 =	vle.f32 v14, $6.400000000e+01;
	v19 =	vmul.f32 v55, v56  }
0xc1: {  	s26 =	sadd.s32 s7, s25;
	vm1 =	vmand vm1, vm2;
	vm2 =	vlt.f32 v6, $1.200000000e+01;
	v6 =	vmul.f32 v10, v18  }
0xc2: {  	v63 =	vmov s26;
	vm1 =	vmand vm1, vm2;
	vm2 =	vlt.f32 v19, v62  }
0xc3: {  	vm1 =	vmand vm1, vm2;
	v6 =	vmul.f32 v6, v10  }
0xc4: {  	vm1 =	vmand vm1, vm0  }
0xc5: {  	v6 =	vsub.f32 $1.500000000e+00, v6;
	_ =	sdelay $0x1  }
0xc6: {  	v12 =	vld.idx.msk [tilespmem:v63+s15+$0x0], $0xffff;
	v6 =	vmul.f32 v6, v10;
	_ =	sdelay $0x1  }
0xc7: {  	v6 =	vmul.f32 v6, v16  }
0xc8: {  	[tilespmem:v13+s17+$0x0] =	vst.idx.msk vm1, v19  }
0xc9: {  	[tilespmem:v13+s18+$0x0] =	vst.idx.msk vm1, v6  }
.Ltmp6:
0xca: {  	[tilespmem:v13+s19+$0x0] =	vst.idx.msk vm1, v12;
	(pc) =	sbr.rel .LBB2_6-.Ltmp6, $4  }
0xcb: {  	[tilespmem:v13+s20+$0x0] =	vst.idx.msk vm1, v9  }
0xcc: {  	[tilespmem:v13+s21+$0x0] =	vst.idx.msk vm1, v8  }
0xcd: {  	[tilespmem:v13+s22+$0x0] =	vst.idx.msk vm1, v11  }
0xce: {  	[tilespmem:v13+s23+$0x0] =	vst.idx.msk vm1, v7  }
.LBB2_8:
0xcf: {  	_ =	sfence.sel $0x180000  }
0xd0: {  	[bflag:$0x0] =	sbarrier.arrive $0xFFFF  }
0xd1: {  	p0 =	sne.s32 s0, $0x0;
	_ =	strace $0x90000047  }
0xd2: {  	s0 =	sadd.s32 @!p0 $0x100000, s2;
	[bflag:$0x2] =	sbarrier.arrive $0xFFFF  }
0xd3: {  	[sflag:s0] =	ssyncadd.tile.s32 @!p0 $0x1;
	_ =	shalt  }
.Lfunc_end2:
_tile_overlayer_lowered:
.L_overlay_start_2:
0xd4: {  	(tag) =	ssettag $0x2  }
0xd5: {  	s0 =	rddreg [dreg:$0x0];
	s2 =	stileid.u32  }
0xd6: {  	s1 =	rddreg [dreg:$0x1];
	p0 =	sne.s32 s2, $0x0  }
0xd7: {  	s3 =	rddreg [dreg:$0x2];
	[bflag:$0x3] =	sbarrier.arrive $0xFFFF;
	s2 =	simm.s32 @!p0 $0x1C02  }
0xd8: {  	[timem:s3], [sflag:s2] =	dma.local @!p0 [hbm:s0], s1  }
0xd9: {  	s0 =	simm.s32 @!p0 $0x2  }
0xda: {  	_ =	swait.ge @!p0 [sflag:s0], s1  }
0xdb: {  	s1 =	ssub.s32 @!p0 $0x0, s1;
	[sflag:s0] =	ssyncset.done @!p0 $0x0  }
0xdc: {  	[sflag:s0] =	ssyncadd.s32 @!p0 s1  }
0xdd: {  	[bflag:$0x3] =	sbarrier.arrive $0xFFFF  }
0xde: {  	_ =	shalt  }

</sc_bundles>
